<compile_context>
chip_gen: v7x
topology: tpu7x:2x2x1
jax: 0.10.2.dev20260603
libtpu: 0.0.44.dev20260713+nightly
codegen_flags: <defaults>
</compile_context>

<pallas_src>
import functools

import jax
import jax.numpy as jnp
from jax import lax
from jax.experimental import pallas as pl
from jax.experimental.pallas import tpu as pltpu
from jax.experimental.pallas import tpu_sc as plsc

_E = 16
_T = 2048
_D = 1024
_TB = 256
_NB = _T // _TB + _E
_LOG2_TB = 8
_NW = 32
_RPW = _T // _NW
_LIMIT = 7.0
_ALPHA = 1.702


def _router_body(x_ref, rw_ref, rb_ref, scores_ref, pos_ref, bexp_ref, bval_ref,
                 bblk_ref):
    x = x_ref[...]
    rw = rw_ref[...]
    logits = lax.dot_general(x, rw, (((1,), (1,)), ((), ())),
                             preferred_element_type=jnp.float32)
    logits = logits + rb_ref[...]
    m = jnp.max(logits, axis=1, keepdims=True)
    eidx = lax.broadcasted_iota(jnp.int32, (_T, _E), 1)
    sel = jnp.where(logits == m, eidx, _E)
    e_t = jnp.min(sel, axis=1, keepdims=True)
    onehot = (eidx == e_t).astype(jnp.int32)
    scores_ref[...] = onehot.astype(jnp.float32)

    cum = onehot
    sh = 1
    while sh < _T:
        z = jnp.zeros((sh, _E), jnp.int32)
        cum = cum + jnp.concatenate([z, cum[: _T - sh]], axis=0)
        sh *= 2
    counts = cum[_T - 1:_T, :]
    bpe = lax.shift_right_logical(counts + (_TB - 1), _LOG2_TB)
    ic = bpe
    sh = 1
    while sh < _E:
        z = jnp.zeros((1, sh), jnp.int32)
        ic = ic + jnp.concatenate([z, ic[:, : _E - sh]], axis=1)
        sh *= 2
    total = ic[:, _E - 1:_E]
    bstart = ic - bpe
    pad_off = lax.shift_left(bstart, _LOG2_TB)
    posmat = onehot * (pad_off + cum - 1)
    pos_ref[...] = jnp.sum(posmat, axis=1, keepdims=True)

    bi = lax.broadcasted_iota(jnp.int32, (_NB, _E), 0)
    ieff = jnp.minimum(bi, total - 1)
    cmp = (bstart <= ieff).astype(jnp.int32)
    bexp_ref[...] = jnp.sum(cmp, axis=1, keepdims=True) - 1
    bi1 = lax.broadcasted_iota(jnp.int32, (_NB, 1), 0)
    bval_ref[...] = (bi1 < total).astype(jnp.int32)
    bblk_ref[...] = jnp.minimum(bi1, total - 1)


def _run_router(x, rw, rb):
    return pl.pallas_call(
        _router_body,
        out_shape=(
            jax.ShapeDtypeStruct((_T, _E), jnp.float32),
            jax.ShapeDtypeStruct((_T, 1), jnp.int32),
            jax.ShapeDtypeStruct((_NB, 1), jnp.int32),
            jax.ShapeDtypeStruct((_NB, 1), jnp.int32),
            jax.ShapeDtypeStruct((_NB, 1), jnp.int32),
        ),
    )(x, rw, rb.reshape(1, _E))


@functools.cache
def _sc_kernels():
    mesh = plsc.VectorSubcoreMesh(core_axis_name="c", subcore_axis_name="s")
    scratch = [
        pltpu.VMEM((_RPW,), jnp.int32),
        pltpu.VMEM((_RPW, _D), jnp.float32),
        pltpu.SemaphoreType.DMA,
    ]

    @functools.partial(
        pl.kernel,
        out_type=jax.ShapeDtypeStruct((_NB * _TB, _D), jnp.float32),
        mesh=mesh,
        scratch_types=scratch,
    )
    def scatter(x_hbm, pos_hbm, xs_hbm, idx_v, rows_v, sem):
        wid = lax.axis_index("s") * 2 + lax.axis_index("c")
        base = wid * _RPW
        pltpu.sync_copy(pos_hbm.at[pl.ds(base, _RPW)], idx_v)
        pltpu.sync_copy(x_hbm.at[pl.ds(base, _RPW)], rows_v)
        pltpu.async_copy(rows_v, xs_hbm.at[idx_v], sem).wait()

    @functools.partial(
        pl.kernel,
        out_type=jax.ShapeDtypeStruct((_T, _D), jnp.float32),
        mesh=mesh,
        scratch_types=scratch,
    )
    def gather(os_hbm, pos_hbm, out_hbm, idx_v, rows_v, sem):
        wid = lax.axis_index("s") * 2 + lax.axis_index("c")
        base = wid * _RPW
        pltpu.sync_copy(pos_hbm.at[pl.ds(base, _RPW)], idx_v)
        pltpu.async_copy(os_hbm.at[idx_v], rows_v, sem).wait()
        pltpu.sync_copy(rows_v, out_hbm.at[pl.ds(base, _RPW)])

    return scatter, gather


def _sc_scatter(x, pos):
    return _sc_kernels()[0](x, pos)


def _sc_gather(out_sorted, pos):
    return _sc_kernels()[1](out_sorted, pos)


def _expert_body(bexp_ref, bval_ref, bblk_ref, xs_ref, gupA_ref, gupB_ref,
                 gbA_ref, dwA_ref, dwB_ref, dwb_ref, out_ref):
    i = pl.program_id(0)

    @pl.when(bval_ref[i] == 1)
    def _():
        xb = xs_ref[...].astype(jnp.bfloat16)
        gupA = gupA_ref[0].astype(jnp.bfloat16)
        gupB = gupB_ref[0].astype(jnp.bfloat16)
        guT = (lax.dot_general(gupA, xb[:, : _D // 2], (((0,), (1,)), ((), ())),
                               preferred_element_type=jnp.float32)
               + lax.dot_general(gupB, xb[:, _D // 2:], (((0,), (1,)), ((), ())),
                                 preferred_element_type=jnp.float32))
        e = bexp_ref[i]
        onehot = (lax.broadcasted_iota(jnp.int32, (_E, 1), 0) == e
                  ).astype(jnp.float32)
        gb = lax.dot_general(gbA_ref[...], onehot, (((1,), (0,)), ((), ())),
                             preferred_element_type=jnp.float32)
        a = jnp.minimum(guT + gb, _LIMIT)
        th = jnp.tanh(a * (0.5 * _ALPHA))
        glu_i = a * (0.5 * th + 0.5)
        up1_i = jnp.maximum(a, -_LIMIT) + 1.0
        pair = glu_i * jnp.roll(up1_i, -1, axis=0)
        interT = pair.reshape(_D, 2, _TB)[:, 0, :].astype(jnp.bfloat16)
        dwA = dwA_ref[0].astype(jnp.bfloat16)
        dwB = dwB_ref[0].astype(jnp.bfloat16)
        ob = (lax.dot_general(interT[: _D // 2], dwA, (((0,), (0,)), ((), ())),
                              preferred_element_type=jnp.float32)
              + lax.dot_general(interT[_D // 2:], dwB, (((0,), (0,)), ((), ())),
                                preferred_element_type=jnp.float32))
        out_ref[...] = ob + dwb_ref[0]


def _run_experts(bexp, bval, bblk, x_sorted, gup, gupb, dw, dwb):
    grid_spec = pltpu.PrefetchScalarGridSpec(
        num_scalar_prefetch=3,
        grid=(_NB,),
        in_specs=[
            pl.BlockSpec((_TB, _D), lambda i, be, bv, bx: (bx[i], 0)),
            pl.BlockSpec((1, _D // 2, 2 * _D),
                         lambda i, be, bv, bx: (be[i], 0, 0)),
            pl.BlockSpec((1, _D // 2, 2 * _D),
                         lambda i, be, bv, bx: (be[i], 1, 0)),
            pl.BlockSpec((2 * _D, _E), lambda i, be, bv, bx: (0, 0)),
            pl.BlockSpec((1, _D // 2, _D), lambda i, be, bv, bx: (be[i], 0, 0)),
            pl.BlockSpec((1, _D // 2, _D), lambda i, be, bv, bx: (be[i], 1, 0)),
            pl.BlockSpec((1, 1, _D), lambda i, be, bv, bx: (be[i], 0, 0)),
        ],
        out_specs=pl.BlockSpec((_TB, _D), lambda i, be, bv, bx: (bx[i], 0)),
    )
    return pl.pallas_call(
        _expert_body,
        grid_spec=grid_spec,
        out_shape=jax.ShapeDtypeStruct((_NB * _TB, _D), jnp.float32),
    )(bexp, bval, bblk, x_sorted, gup, gup, gupb.T, dw, dw,
      dwb.reshape(_E, 1, _D))


def kernel(hidden_states, router_weight, router_bias, gate_up_proj,
           gate_up_proj_bias, down_proj, down_proj_bias):
    b, s, d = hidden_states.shape
    x = hidden_states.reshape(b * s, d)
    scores, pos2, bexp2, bval2, bblk2 = _run_router(x, router_weight,
                                                    router_bias)
    pos = pos2.reshape(_T)
    bexp = bexp2.reshape(_NB)
    bval = bval2.reshape(_NB)
    bblk = bblk2.reshape(_NB)
    x_sorted = _sc_scatter(x, pos)
    out_sorted = _run_experts(bexp, bval, bblk, x_sorted, gate_up_proj,
                              gate_up_proj_bias, down_proj, down_proj_bias)
    out = _sc_gather(out_sorted, pos)
    return out.reshape(b, s, d), scores

# --- scband reference (transcript-rebuilt; emitter-appended) ---
"""Pipeline reference for scband-yamoe-89120571392709 (READ-ONLY COPY).

The authoritative reference and input builder live on the scoring server;
editing this copy changes nothing except your own understanding.
"""

import jax, jax.numpy as jnp
import numpy as np

E = 16
TOP_K = 1
B, S, D = 1, 2048, 1024
LIMIT = 7.0
ALPHA = 1.702


def setup_inputs(seed: int = 0) -> dict:
    key = jax.random.key(seed)
    ks = jax.random.split(key, 7)
    return {
        "hidden_states": jax.random.normal(ks[0], (B, S, D), dtype=jnp.float32),
        "router_weight": jax.random.normal(ks[1], (E, D), dtype=jnp.float32) * 0.02,
        "router_bias": jnp.zeros((E,), dtype=jnp.float32),
        "gate_up_proj": jax.random.normal(ks[2], (E, D, 2 * D), dtype=jnp.float32) * 0.02,
        "gate_up_proj_bias": jax.random.normal(ks[3], (E, 2 * D), dtype=jnp.float32) * 0.02,
        "down_proj": jax.random.normal(ks[4], (E, D, D), dtype=jnp.float32) * 0.02,
        "down_proj_bias": jax.random.normal(ks[5], (E, D), dtype=jnp.float32) * 0.02,
    }


def _moe(hidden_states, router_weight, router_bias, gate_up_proj, gate_up_proj_bias, down_proj, down_proj_bias):
    b, s, d = hidden_states.shape
    x = hidden_states.reshape(-1, d)
    t = x.shape[0]
    # Router linear
    logits = x @ router_weight.T + router_bias
    # top-k + softmax over the selected logits (top_k==1 -> weight 1.0, matching torch max branch)
    top_vals, top_idx = jax.lax.top_k(logits, TOP_K)
    w = jax.nn.softmax(top_vals, axis=-1)
    # dense router score matrix via scatter (torch: zeros_like(logits).scatter_(1, idx, w))
    router_scores = jnp.zeros_like(logits).at[jnp.arange(t)[:, None], top_idx].set(w)
    scores_e = router_scores.T  # [E, T]

    # Expert computation (GPT-OSS style swiglu with interleaved gate/up and clamping,
    # as implemented by the yamoe experts kernel). Dense over experts, weighted by
    # the dense routing scores; assumes no capacity overflow (capacity = 2x avg load).
    def body(acc, inp):
        gup, gupb, dw, dwb, sc = inp
        gu = x @ gup + gupb  # [T, 2D]
        gate = gu[:, ::2]
        up = gu[:, 1::2]
        gate = jnp.clip(gate, None, LIMIT)
        up = jnp.clip(up, -LIMIT, LIMIT)
        glu = gate * jax.nn.sigmoid(gate * ALPHA)
        inter = (up + 1.0) * glu  # [T, D]
        out_e = inter @ dw + dwb  # [T, D]
        return acc + sc[:, None] * out_e, None

    out, _ = jax.lax.scan(
        body,
        jnp.zeros((t, d), dtype=jnp.float32),
        (gate_up_proj, gate_up_proj_bias, down_proj, down_proj_bias, scores_e),
    )
    return out.reshape(b, s, d), router_scores


def reference(hidden_states, router_weight, router_bias, gate_up_proj, gate_up_proj_bias, down_proj, down_proj_bias):
    return _moe(hidden_states, router_weight, router_bias, gate_up_proj, gate_up_proj_bias, down_proj, down_proj_bias)

if __name__ == "__main__":
    import jax
    _d = setup_inputs()
    print(jax.jit(kernel)(*tuple(_d.values())))

</pallas_src>

<mosaic_0001>
#map = affine_map<(d0, d1) -> (0, 0)>
#map1 = affine_map<(d0, d1) -> (0)>
module attributes {stable_mosaic.version = 14 : i64} {
  func.func @gather(%arg0: i32, %arg1: i32, %arg2: memref<6144x1024xf32, #tpu.memory_space<hbm>>, %arg3: memref<2048xi32, #tpu.memory_space<hbm>>, %arg4: memref<2048x1024xf32, #tpu.memory_space<hbm>>, %arg5: memref<64xi32, #tpu.memory_space<vmem>>, %arg6: memref<64x1024xf32, #tpu.memory_space<vmem>>, %arg7: memref<!tpu.dma_semaphore, #tpu.memory_space<semaphore_mem>>) attributes {dimension_semantics = [#tpu.dimension_semantics<core_parallel>, #tpu.dimension_semantics<subcore_parallel>], iteration_bounds = array<i64: 2, 16>, scalar_prefetch = 0 : i64, scratch_operands = 3 : i64, tpu.core_type = #tpu.core_type<sc_vector_subcore>, window_params = [{transform_indices = #map}, {transform_indices = #map1}, {transform_indices = #map}]} {
    %mul3A = arith.constant 2 : i32
    %mul3A_0 = arith.muli %arg1, %mul3A : i32
    %add3A = arith.addi %mul3A_0, %arg0 : i32
    %mul3A_1 = arith.constant 64 : i32
    %mul3A_2 = arith.muli %add3A, %mul3A_1 : i32
    "tpu.region"() ({
      %run_scoped3A = tpu.sem_alloc : memref<!tpu.dma_semaphore, #tpu.memory_space<semaphore_mem>>
      %dma_start3A_7 = tpu.memref_slice %arg3[%mul3A_2] : memref<2048xi32, #tpu.memory_space<hbm>> -> memref<64xi32, #tpu.memory_space<hbm>>
      %dma_start3A_8 = tpu.memref_slice %arg3[%mul3A_2] : memref<2048xi32, #tpu.memory_space<hbm>> -> memref<64xi32, #tpu.memory_space<hbm>>
      tpu.enqueue_dma source(%dma_start3A_8 : memref<64xi32, #tpu.memory_space<hbm>>) target(%arg5 : memref<64xi32, #tpu.memory_space<vmem>>) target_semaphore(%run_scoped3A : memref<!tpu.dma_semaphore, #tpu.memory_space<semaphore_mem>>)
      %dma_wait3A_9 = tpu.memref_slice %arg3[%mul3A_2] : memref<2048xi32, #tpu.memory_space<hbm>> -> memref<64xi32, #tpu.memory_space<hbm>>
      %dma_wait3A_10 = tpu.memref_slice %arg3[%mul3A_2] : memref<2048xi32, #tpu.memory_space<hbm>> -> memref<64xi32, #tpu.memory_space<hbm>>
      tpu.wait_dma2 semaphore(%run_scoped3A : memref<!tpu.dma_semaphore, #tpu.memory_space<semaphore_mem>>) src(%dma_wait3A_10 : memref<64xi32, #tpu.memory_space<hbm>>) dst(%arg5 : memref<64xi32, #tpu.memory_space<vmem>>)
      tpu.yield
    }) : () -> ()
    %dma_start3A = arith.constant 0 : i32
    %dma_start3A_3 = arith.constant 0 : i32
    %dma_start3A_4 = tpu.memref_slice %arg2[%dma_start3A, %dma_start3A_3] : memref<6144x1024xf32, #tpu.memory_space<hbm>> -> memref<6144x1024xf32, #tpu.memory_space<hbm>>
    tpu.enqueue_indirect_dma source(%dma_start3A_4 : memref<6144x1024xf32, #tpu.memory_space<hbm>>) target(%arg6 : memref<64x1024xf32, #tpu.memory_space<vmem>>) offsets(%arg5 : memref<64xi32, #tpu.memory_space<vmem>>) semaphore(%arg7 : memref<!tpu.dma_semaphore, #tpu.memory_space<semaphore_mem>>)
    %dma_wait3A = arith.constant 0 : i32
    %dma_wait3A_5 = arith.constant 0 : i32
    %dma_wait3A_6 = tpu.memref_slice %arg2[%dma_wait3A, %dma_wait3A_5] : memref<6144x1024xf32, #tpu.memory_space<hbm>> -> memref<6144x1024xf32, #tpu.memory_space<hbm>>
    tpu.wait_indirect_dma semaphore(%arg7 : memref<!tpu.dma_semaphore, #tpu.memory_space<semaphore_mem>>) src(%dma_wait3A_6 : memref<6144x1024xf32, #tpu.memory_space<hbm>>) dst(%arg6 : memref<64x1024xf32, #tpu.memory_space<vmem>>)
    "tpu.region"() ({
      %run_scoped3A = tpu.sem_alloc : memref<!tpu.dma_semaphore, #tpu.memory_space<semaphore_mem>>
      %dma_start3A_7 = arith.constant 0 : i32
      %dma_start3A_8 = tpu.memref_slice %arg4[%mul3A_2, %dma_start3A_7] : memref<2048x1024xf32, #tpu.memory_space<hbm>> -> memref<64x1024xf32, #tpu.memory_space<hbm>>
      %dma_start3A_9 = arith.constant 0 : i32
      %dma_start3A_10 = tpu.memref_slice %arg4[%mul3A_2, %dma_start3A_9] : memref<2048x1024xf32, #tpu.memory_space<hbm>> -> memref<64x1024xf32, #tpu.memory_space<hbm>>
      tpu.enqueue_dma source(%arg6 : memref<64x1024xf32, #tpu.memory_space<vmem>>) target(%dma_start3A_10 : memref<64x1024xf32, #tpu.memory_space<hbm>>) target_semaphore(%run_scoped3A : memref<!tpu.dma_semaphore, #tpu.memory_space<semaphore_mem>>)
      %dma_wait3A_11 = arith.constant 0 : i32
      %dma_wait3A_12 = tpu.memref_slice %arg4[%mul3A_2, %dma_wait3A_11] : memref<2048x1024xf32, #tpu.memory_space<hbm>> -> memref<64x1024xf32, #tpu.memory_space<hbm>>
      %dma_wait3A_13 = arith.constant 0 : i32
      %dma_wait3A_14 = tpu.memref_slice %arg4[%mul3A_2, %dma_wait3A_13] : memref<2048x1024xf32, #tpu.memory_space<hbm>> -> memref<64x1024xf32, #tpu.memory_space<hbm>>
      tpu.wait_dma2 semaphore(%run_scoped3A : memref<!tpu.dma_semaphore, #tpu.memory_space<semaphore_mem>>) src(%arg6 : memref<64x1024xf32, #tpu.memory_space<vmem>>) dst(%dma_wait3A_14 : memref<64x1024xf32, #tpu.memory_space<hbm>>)
      tpu.yield
    }) : () -> ()
    return
  }
}

#map = affine_map<(d0, d1) -> (0, 0)>
#map1 = affine_map<(d0, d1) -> (0)>
module attributes {stable_mosaic.version = 14 : i64} {
  func.func @scatter(%arg0: i32, %arg1: i32, %arg2: memref<2048x1024xf32, #tpu.memory_space<hbm>>, %arg3: memref<2048xi32, #tpu.memory_space<hbm>>, %arg4: memref<6144x1024xf32, #tpu.memory_space<hbm>>, %arg5: memref<64xi32, #tpu.memory_space<vmem>>, %arg6: memref<64x1024xf32, #tpu.memory_space<vmem>>, %arg7: memref<!tpu.dma_semaphore, #tpu.memory_space<semaphore_mem>>) attributes {dimension_semantics = [#tpu.dimension_semantics<core_parallel>, #tpu.dimension_semantics<subcore_parallel>], iteration_bounds = array<i64: 2, 16>, scalar_prefetch = 0 : i64, scratch_operands = 3 : i64, tpu.core_type = #tpu.core_type<sc_vector_subcore>, window_params = [{transform_indices = #map}, {transform_indices = #map1}, {transform_indices = #map}]} {
    %mul3A = arith.constant 2 : i32
    %mul3A_0 = arith.muli %arg1, %mul3A : i32
    %add3A = arith.addi %mul3A_0, %arg0 : i32
    %mul3A_1 = arith.constant 64 : i32
    %mul3A_2 = arith.muli %add3A, %mul3A_1 : i32
    "tpu.region"() ({
      %run_scoped3A = tpu.sem_alloc : memref<!tpu.dma_semaphore, #tpu.memory_space<semaphore_mem>>
      %dma_start3A_7 = tpu.memref_slice %arg3[%mul3A_2] : memref<2048xi32, #tpu.memory_space<hbm>> -> memref<64xi32, #tpu.memory_space<hbm>>
      %dma_start3A_8 = tpu.memref_slice %arg3[%mul3A_2] : memref<2048xi32, #tpu.memory_space<hbm>> -> memref<64xi32, #tpu.memory_space<hbm>>
      tpu.enqueue_dma source(%dma_start3A_8 : memref<64xi32, #tpu.memory_space<hbm>>) target(%arg5 : memref<64xi32, #tpu.memory_space<vmem>>) target_semaphore(%run_scoped3A : memref<!tpu.dma_semaphore, #tpu.memory_space<semaphore_mem>>)
      %dma_wait3A_9 = tpu.memref_slice %arg3[%mul3A_2] : memref<2048xi32, #tpu.memory_space<hbm>> -> memref<64xi32, #tpu.memory_space<hbm>>
      %dma_wait3A_10 = tpu.memref_slice %arg3[%mul3A_2] : memref<2048xi32, #tpu.memory_space<hbm>> -> memref<64xi32, #tpu.memory_space<hbm>>
      tpu.wait_dma2 semaphore(%run_scoped3A : memref<!tpu.dma_semaphore, #tpu.memory_space<semaphore_mem>>) src(%dma_wait3A_10 : memref<64xi32, #tpu.memory_space<hbm>>) dst(%arg5 : memref<64xi32, #tpu.memory_space<vmem>>)
      tpu.yield
    }) : () -> ()
    "tpu.region"() ({
      %run_scoped3A = tpu.sem_alloc : memref<!tpu.dma_semaphore, #tpu.memory_space<semaphore_mem>>
      %dma_start3A_7 = arith.constant 0 : i32
      %dma_start3A_8 = tpu.memref_slice %arg2[%mul3A_2, %dma_start3A_7] : memref<2048x1024xf32, #tpu.memory_space<hbm>> -> memref<64x1024xf32, #tpu.memory_space<hbm>>
      %dma_start3A_9 = arith.constant 0 : i32
      %dma_start3A_10 = tpu.memref_slice %arg2[%mul3A_2, %dma_start3A_9] : memref<2048x1024xf32, #tpu.memory_space<hbm>> -> memref<64x1024xf32, #tpu.memory_space<hbm>>
      tpu.enqueue_dma source(%dma_start3A_10 : memref<64x1024xf32, #tpu.memory_space<hbm>>) target(%arg6 : memref<64x1024xf32, #tpu.memory_space<vmem>>) target_semaphore(%run_scoped3A : memref<!tpu.dma_semaphore, #tpu.memory_space<semaphore_mem>>)
      %dma_wait3A_11 = arith.constant 0 : i32
      %dma_wait3A_12 = tpu.memref_slice %arg2[%mul3A_2, %dma_wait3A_11] : memref<2048x1024xf32, #tpu.memory_space<hbm>> -> memref<64x1024xf32, #tpu.memory_space<hbm>>
      %dma_wait3A_13 = arith.constant 0 : i32
      %dma_wait3A_14 = tpu.memref_slice %arg2[%mul3A_2, %dma_wait3A_13] : memref<2048x1024xf32, #tpu.memory_space<hbm>> -> memref<64x1024xf32, #tpu.memory_space<hbm>>
      tpu.wait_dma2 semaphore(%run_scoped3A : memref<!tpu.dma_semaphore, #tpu.memory_space<semaphore_mem>>) src(%dma_wait3A_14 : memref<64x1024xf32, #tpu.memory_space<hbm>>) dst(%arg6 : memref<64x1024xf32, #tpu.memory_space<vmem>>)
      tpu.yield
    }) : () -> ()
    %dma_start3A = arith.constant 0 : i32
    %dma_start3A_3 = arith.constant 0 : i32
    %dma_start3A_4 = tpu.memref_slice %arg4[%dma_start3A, %dma_start3A_3] : memref<6144x1024xf32, #tpu.memory_space<hbm>> -> memref<6144x1024xf32, #tpu.memory_space<hbm>>
    tpu.enqueue_indirect_dma source(%arg6 : memref<64x1024xf32, #tpu.memory_space<vmem>>) target(%dma_start3A_4 : memref<6144x1024xf32, #tpu.memory_space<hbm>>) offsets(%arg5 : memref<64xi32, #tpu.memory_space<vmem>>) semaphore(%arg7 : memref<!tpu.dma_semaphore, #tpu.memory_space<semaphore_mem>>)
    %dma_wait3A = arith.constant 0 : i32
    %dma_wait3A_5 = arith.constant 0 : i32
    %dma_wait3A_6 = tpu.memref_slice %arg4[%dma_wait3A, %dma_wait3A_5] : memref<6144x1024xf32, #tpu.memory_space<hbm>> -> memref<6144x1024xf32, #tpu.memory_space<hbm>>
    tpu.wait_indirect_dma semaphore(%arg7 : memref<!tpu.dma_semaphore, #tpu.memory_space<semaphore_mem>>) src(%arg6 : memref<64x1024xf32, #tpu.memory_space<vmem>>) dst(%dma_wait3A_6 : memref<6144x1024xf32, #tpu.memory_space<hbm>>)
    return
  }
}

module attributes {stable_mosaic.version = 14 : i64} {
  func.func @_router_body(%arg0: memref<2048x1024xf32, #tpu.memory_space<vmem>>, %arg1: memref<16x1024xf32, #tpu.memory_space<vmem>>, %arg2: memref<1x16xf32, #tpu.memory_space<vmem>>, %arg3: memref<2048x16xf32, #tpu.memory_space<vmem>>, %arg4: memref<2048x1xi32, #tpu.memory_space<vmem>>, %arg5: memref<24x1xi32, #tpu.memory_space<vmem>>, %arg6: memref<24x1xi32, #tpu.memory_space<vmem>>, %arg7: memref<24x1xi32, #tpu.memory_space<vmem>>) attributes {dimension_semantics = [], scalar_prefetch = 0 : i64, scratch_operands = 0 : i64, tpu.core_type = #tpu.core_type<tc>} {
    %get3A = arith.constant 0 : index
    %get3A_0 = arith.constant 0 : index
    %get3A_1 = vector.load %arg0[%get3A, %get3A_0] : memref<2048x1024xf32, #tpu.memory_space<vmem>>, vector<2048x1024xf32>
    %get3A_2 = arith.constant 0 : index
    %get3A_3 = arith.constant 0 : index
    %get3A_4 = vector.load %arg1[%get3A_2, %get3A_3] : memref<16x1024xf32, #tpu.memory_space<vmem>>, vector<16x1024xf32>
    %dot_general3A = arith.constant dense<0.000000e+00> : vector<2048x16xf32>
    %dot_general3A_5 = tpu.matmul %get3A_1, %get3A_4, %dot_general3A {dimension_numbers = #tpu.dot_dimension_numbers<[1], [1], [0], [0], [0, 0, 1, 0], [], []>, transpose_lhs_hint = false} : vector<2048x1024xf32>, vector<16x1024xf32>, vector<2048x16xf32> -> vector<2048x16xf32>
    %get3A_6 = arith.constant 0 : index
    %get3A_7 = arith.constant 0 : index
    %get3A_8 = vector.load %arg2[%get3A_6, %get3A_7] : memref<1x16xf32, #tpu.memory_space<vmem>>, vector<1x16xf32>
    %add3A = vector.broadcast %get3A_8 : vector<1x16xf32> to vector<2048x16xf32>
    %add3A_9 = arith.addf %dot_general3A_5, %add3A : vector<2048x16xf32>
    %reduce_max3A = arith.constant dense<0xFF800000> : vector<2048xf32>
    %reduce_max3A_10 = vector.multi_reduction <maximumf>, %add3A_9, %reduce_max3A [1] : vector<2048x16xf32> to vector<2048xf32>
    %broadcast_in_dim3A = vector.shape_cast %reduce_max3A_10 : vector<2048xf32> to vector<2048x1xf32>
    %iota3A = tpu.iota {dimensions = array<i32: 1>} : vector<2048x16xi32>
    %eq3A = vector.broadcast %broadcast_in_dim3A : vector<2048x1xf32> to vector<2048x16xf32>
    %eq3A_11 = arith.cmpf oeq, %add3A_9, %eq3A : vector<2048x16xf32>
    %jit3A = arith.constant 16 : i32
    %broadcast_in_dim3A_12 = vector.broadcast %jit3A : i32 to vector<2048x16xi32>
    %select_n3A = arith.select %eq3A_11, %iota3A, %broadcast_in_dim3A_12 : vector<2048x16xi1>, vector<2048x16xi32>
    %reduce_min3A = arith.constant dense<2147483647> : vector<2048xi32>
    %reduce_min3A_13 = vector.multi_reduction <minsi>, %select_n3A, %reduce_min3A [1] : vector<2048x16xi32> to vector<2048xi32>
    %broadcast_in_dim3A_14 = vector.shape_cast %reduce_min3A_13 : vector<2048xi32> to vector<2048x1xi32>
    %eq3A_15 = vector.broadcast %broadcast_in_dim3A_14 : vector<2048x1xi32> to vector<2048x16xi32>
    %eq3A_16 = arith.cmpi eq, %iota3A, %eq3A_15 : vector<2048x16xi32>
    %convert_element_type3A = arith.extui %eq3A_16 : vector<2048x16xi1> to vector<2048x16xi32>
    %convert_element_type3A_17 = arith.sitofp %convert_element_type3A : vector<2048x16xi32> to vector<2048x16xf32>
    %swap3A = arith.constant 0 : index
    %swap3A_18 = arith.constant 0 : index
    %swap3A_19 = vector.load %arg3[%swap3A, %swap3A_18] : memref<2048x16xf32, #tpu.memory_space<vmem>>, vector<2048x16xf32>
    tpu.vector_store %arg3[%swap3A, %swap3A_18], %convert_element_type3A_17 {strides = array<i32>} : memref<2048x16xf32, #tpu.memory_space<vmem>>, vector<2048x16xf32>,
    %broadcast_in_dim3A_20 = arith.constant 0 : i32
    %broadcast_in_dim3A_21 = vector.broadcast %broadcast_in_dim3A_20 : i32 to vector<1x16xi32>
    %slice3A = vector.extract_strided_slice %convert_element_type3A {offsets = [0, 0], sizes = [2047, 16], strides = [1, 1]} : vector<2048x16xi32> to vector<2047x16xi32>
    %concatenate3A = tpu.concatenate %broadcast_in_dim3A_21, %slice3A in 0 : vector<1x16xi32>, vector<2047x16xi32> -> vector<2048x16xi32>
    %add3A_22 = arith.addi %convert_element_type3A, %concatenate3A : vector<2048x16xi32>
    %broadcast_in_dim3A_23 = arith.constant 0 : i32
    %broadcast_in_dim3A_24 = vector.broadcast %broadcast_in_dim3A_23 : i32 to vector<2x16xi32>
    %slice3A_25 = vector.extract_strided_slice %add3A_22 {offsets = [0, 0], sizes = [2046, 16], strides = [1, 1]} : vector<2048x16xi32> to vector<2046x16xi32>
    %concatenate3A_26 = tpu.concatenate %broadcast_in_dim3A_24, %slice3A_25 in 0 : vector<2x16xi32>, vector<2046x16xi32> -> vector<2048x16xi32>
    %add3A_27 = arith.addi %add3A_22, %concatenate3A_26 : vector<2048x16xi32>
    %broadcast_in_dim3A_28 = arith.constant 0 : i32
    %broadcast_in_dim3A_29 = vector.broadcast %broadcast_in_dim3A_28 : i32 to vector<4x16xi32>
    %slice3A_30 = vector.extract_strided_slice %add3A_27 {offsets = [0, 0], sizes = [2044, 16], strides = [1, 1]} : vector<2048x16xi32> to vector<2044x16xi32>
    %concatenate3A_31 = tpu.concatenate %broadcast_in_dim3A_29, %slice3A_30 in 0 : vector<4x16xi32>, vector<2044x16xi32> -> vector<2048x16xi32>
    %add3A_32 = arith.addi %add3A_27, %concatenate3A_31 : vector<2048x16xi32>
    %broadcast_in_dim3A_33 = arith.constant 0 : i32
    %broadcast_in_dim3A_34 = vector.broadcast %broadcast_in_dim3A_33 : i32 to vector<8x16xi32>
    %slice3A_35 = vector.extract_strided_slice %add3A_32 {offsets = [0, 0], sizes = [2040, 16], strides = [1, 1]} : vector<2048x16xi32> to vector<2040x16xi32>
    %concatenate3A_36 = tpu.concatenate %broadcast_in_dim3A_34, %slice3A_35 in 0 : vector<8x16xi32>, vector<2040x16xi32> -> vector<2048x16xi32>
    %add3A_37 = arith.addi %add3A_32, %concatenate3A_36 : vector<2048x16xi32>
    %broadcast_in_dim3A_38 = arith.constant 0 : i32
    %broadcast_in_dim3A_39 = vector.broadcast %broadcast_in_dim3A_38 : i32 to vector<16x16xi32>
    %slice3A_40 = vector.extract_strided_slice %add3A_37 {offsets = [0, 0], sizes = [2032, 16], strides = [1, 1]} : vector<2048x16xi32> to vector<2032x16xi32>
    %concatenate3A_41 = tpu.concatenate %broadcast_in_dim3A_39, %slice3A_40 in 0 : vector<16x16xi32>, vector<2032x16xi32> -> vector<2048x16xi32>
    %add3A_42 = arith.addi %add3A_37, %concatenate3A_41 : vector<2048x16xi32>
    %broadcast_in_dim3A_43 = arith.constant 0 : i32
    %broadcast_in_dim3A_44 = vector.broadcast %broadcast_in_dim3A_43 : i32 to vector<32x16xi32>
    %slice3A_45 = vector.extract_strided_slice %add3A_42 {offsets = [0, 0], sizes = [2016, 16], strides = [1, 1]} : vector<2048x16xi32> to vector<2016x16xi32>
    %concatenate3A_46 = tpu.concatenate %broadcast_in_dim3A_44, %slice3A_45 in 0 : vector<32x16xi32>, vector<2016x16xi32> -> vector<2048x16xi32>
    %add3A_47 = arith.addi %add3A_42, %concatenate3A_46 : vector<2048x16xi32>
    %broadcast_in_dim3A_48 = arith.constant 0 : i32
    %broadcast_in_dim3A_49 = vector.broadcast %broadcast_in_dim3A_48 : i32 to vector<64x16xi32>
    %slice3A_50 = vector.extract_strided_slice %add3A_47 {offsets = [0, 0], sizes = [1984, 16], strides = [1, 1]} : vector<2048x16xi32> to vector<1984x16xi32>
    %concatenate3A_51 = tpu.concatenate %broadcast_in_dim3A_49, %slice3A_50 in 0 : vector<64x16xi32>, vector<1984x16xi32> -> vector<2048x16xi32>
    %add3A_52 = arith.addi %add3A_47, %concatenate3A_51 : vector<2048x16xi32>
    %broadcast_in_dim3A_53 = arith.constant 0 : i32
    %broadcast_in_dim3A_54 = vector.broadcast %broadcast_in_dim3A_53 : i32 to vector<128x16xi32>
    %slice3A_55 = vector.extract_strided_slice %add3A_52 {offsets = [0, 0], sizes = [1920, 16], strides = [1, 1]} : vector<2048x16xi32> to vector<1920x16xi32>
    %concatenate3A_56 = tpu.concatenate %broadcast_in_dim3A_54, %slice3A_55 in 0 : vector<128x16xi32>, vector<1920x16xi32> -> vector<2048x16xi32>
    %add3A_57 = arith.addi %add3A_52, %concatenate3A_56 : vector<2048x16xi32>
    %broadcast_in_dim3A_58 = arith.constant 0 : i32
    %broadcast_in_dim3A_59 = vector.broadcast %broadcast_in_dim3A_58 : i32 to vector<256x16xi32>
    %slice3A_60 = vector.extract_strided_slice %add3A_57 {offsets = [0, 0], sizes = [1792, 16], strides = [1, 1]} : vector<2048x16xi32> to vector<1792x16xi32>
    %concatenate3A_61 = tpu.concatenate %broadcast_in_dim3A_59, %slice3A_60 in 0 : vector<256x16xi32>, vector<1792x16xi32> -> vector<2048x16xi32>
    %add3A_62 = arith.addi %add3A_57, %concatenate3A_61 : vector<2048x16xi32>
    %broadcast_in_dim3A_63 = arith.constant 0 : i32
    %broadcast_in_dim3A_64 = vector.broadcast %broadcast_in_dim3A_63 : i32 to vector<512x16xi32>
    %slice3A_65 = vector.extract_strided_slice %add3A_62 {offsets = [0, 0], sizes = [1536, 16], strides = [1, 1]} : vector<2048x16xi32> to vector<1536x16xi32>
    %concatenate3A_66 = tpu.concatenate %broadcast_in_dim3A_64, %slice3A_65 in 0 : vector<512x16xi32>, vector<1536x16xi32> -> vector<2048x16xi32>
    %add3A_67 = arith.addi %add3A_62, %concatenate3A_66 : vector<2048x16xi32>
    %broadcast_in_dim3A_68 = arith.constant 0 : i32
    %broadcast_in_dim3A_69 = vector.broadcast %broadcast_in_dim3A_68 : i32 to vector<1024x16xi32>
    %slice3A_70 = vector.extract_strided_slice %add3A_67 {offsets = [0, 0], sizes = [1024, 16], strides = [1, 1]} : vector<2048x16xi32> to vector<1024x16xi32>
    %concatenate3A_71 = tpu.concatenate %broadcast_in_dim3A_69, %slice3A_70 in 0 : vector<1024x16xi32>, vector<1024x16xi32> -> vector<2048x16xi32>
    %add3A_72 = arith.addi %add3A_67, %concatenate3A_71 : vector<2048x16xi32>
    %slice3A_73 = vector.extract_strided_slice %add3A_72 {offsets = [2047, 0], sizes = [1, 16], strides = [1, 1]} : vector<2048x16xi32> to vector<1x16xi32>
    %add3A_74 = arith.constant 255 : i32
    %add3A_75 = vector.broadcast %add3A_74 : i32 to vector<1x16xi32>
    %add3A_76 = arith.addi %slice3A_73, %add3A_75 : vector<1x16xi32>
    %shift_right_logical3A = arith.constant 8 : i32
    %shift_right_logical3A_77 = vector.broadcast %shift_right_logical3A : i32 to vector<1x16xi32>
    %shift_right_logical3A_78 = arith.shrui %add3A_76, %shift_right_logical3A_77 : vector<1x16xi32>
    %broadcast_in_dim3A_79 = arith.constant 0 : i32
    %broadcast_in_dim3A_80 = vector.broadcast %broadcast_in_dim3A_79 : i32 to vector<1x1xi32>
    %slice3A_81 = vector.extract_strided_slice %shift_right_logical3A_78 {offsets = [0, 0], sizes = [1, 15], strides = [1, 1]} : vector<1x16xi32> to vector<1x15xi32>
    %concatenate3A_82 = tpu.concatenate %broadcast_in_dim3A_80, %slice3A_81 in 1 : vector<1x1xi32>, vector<1x15xi32> -> vector<1x16xi32>
    %add3A_83 = arith.addi %shift_right_logical3A_78, %concatenate3A_82 : vector<1x16xi32>
    %broadcast_in_dim3A_84 = arith.constant 0 : i32
    %broadcast_in_dim3A_85 = vector.broadcast %broadcast_in_dim3A_84 : i32 to vector<1x2xi32>
    %slice3A_86 = vector.extract_strided_slice %add3A_83 {offsets = [0, 0], sizes = [1, 14], strides = [1, 1]} : vector<1x16xi32> to vector<1x14xi32>
    %concatenate3A_87 = tpu.concatenate %broadcast_in_dim3A_85, %slice3A_86 in 1 : vector<1x2xi32>, vector<1x14xi32> -> vector<1x16xi32>
    %add3A_88 = arith.addi %add3A_83, %concatenate3A_87 : vector<1x16xi32>
    %broadcast_in_dim3A_89 = arith.constant 0 : i32
    %broadcast_in_dim3A_90 = vector.broadcast %broadcast_in_dim3A_89 : i32 to vector<1x4xi32>
    %slice3A_91 = vector.extract_strided_slice %add3A_88 {offsets = [0, 0], sizes = [1, 12], strides = [1, 1]} : vector<1x16xi32> to vector<1x12xi32>
    %concatenate3A_92 = tpu.concatenate %broadcast_in_dim3A_90, %slice3A_91 in 1 : vector<1x4xi32>, vector<1x12xi32> -> vector<1x16xi32>
    %add3A_93 = arith.addi %add3A_88, %concatenate3A_92 : vector<1x16xi32>
    %broadcast_in_dim3A_94 = arith.constant 0 : i32
    %broadcast_in_dim3A_95 = vector.broadcast %broadcast_in_dim3A_94 : i32 to vector<1x8xi32>
    %slice3A_96 = vector.extract_strided_slice %add3A_93 {offsets = [0, 0], sizes = [1, 8], strides = [1, 1]} : vector<1x16xi32> to vector<1x8xi32>
    %concatenate3A_97 = tpu.concatenate %broadcast_in_dim3A_95, %slice3A_96 in 1 : vector<1x8xi32>, vector<1x8xi32> -> vector<1x16xi32>
    %add3A_98 = arith.addi %add3A_93, %concatenate3A_97 : vector<1x16xi32>
    %slice3A_99 = vector.extract_strided_slice %add3A_98 {offsets = [0, 15], sizes = [1, 1], strides = [1, 1]} : vector<1x16xi32> to vector<1x1xi32>
    %sub3A = arith.subi %add3A_98, %shift_right_logical3A_78 : vector<1x16xi32>
    %shift_left3A = arith.constant 8 : i32
    %shift_left3A_100 = vector.broadcast %shift_left3A : i32 to vector<1x16xi32>
    %shift_left3A_101 = arith.shli %sub3A, %shift_left3A_100 : vector<1x16xi32>
    %add3A_102 = vector.broadcast %shift_left3A_101 : vector<1x16xi32> to vector<2048x16xi32>
    %add3A_103 = arith.addi %add3A_102, %add3A_72 : vector<2048x16xi32>
    %sub3A_104 = arith.constant 1 : i32
    %sub3A_105 = vector.broadcast %sub3A_104 : i32 to vector<2048x16xi32>
    %sub3A_106 = arith.subi %add3A_103, %sub3A_105 : vector<2048x16xi32>
    %mul3A = arith.muli %convert_element_type3A, %sub3A_106 : vector<2048x16xi32>
    %reduce_sum3A = arith.constant dense<0> : vector<2048xi32>
    %reduce_sum3A_107 = vector.multi_reduction <add>, %mul3A, %reduce_sum3A [1] : vector<2048x16xi32> to vector<2048xi32>
    %broadcast_in_dim3A_108 = vector.shape_cast %reduce_sum3A_107 : vector<2048xi32> to vector<2048x1xi32>
    %swap3A_109 = arith.constant 0 : index
    %swap3A_110 = arith.constant 0 : index
    %swap3A_111 = vector.load %arg4[%swap3A_109, %swap3A_110] : memref<2048x1xi32, #tpu.memory_space<vmem>>, vector<2048x1xi32>
    tpu.vector_store %arg4[%swap3A_109, %swap3A_110], %broadcast_in_dim3A_108 {strides = array<i32>} : memref<2048x1xi32, #tpu.memory_space<vmem>>, vector<2048x1xi32>,
    %iota3A_112 = tpu.iota {dimensions = array<i32: 0>} : vector<24x16xi32>
    %sub3A_113 = arith.constant 1 : i32
    %sub3A_114 = vector.broadcast %sub3A_113 : i32 to vector<1x1xi32>
    %sub3A_115 = arith.subi %slice3A_99, %sub3A_114 : vector<1x1xi32>
    %min3A = vector.broadcast %sub3A_115 : vector<1x1xi32> to vector<24x16xi32>
    %min3A_116 = arith.minsi %iota3A_112, %min3A : vector<24x16xi32>
    %le3A = vector.broadcast %sub3A : vector<1x16xi32> to vector<24x16xi32>
    %le3A_117 = arith.cmpi sle, %le3A, %min3A_116 : vector<24x16xi32>
    %convert_element_type3A_118 = arith.extui %le3A_117 : vector<24x16xi1> to vector<24x16xi32>
    %reduce_sum3A_119 = arith.constant dense<0> : vector<24xi32>
    %reduce_sum3A_120 = vector.multi_reduction <add>, %convert_element_type3A_118, %reduce_sum3A_119 [1] : vector<24x16xi32> to vector<24xi32>
    %broadcast_in_dim3A_121 = vector.shape_cast %reduce_sum3A_120 : vector<24xi32> to vector<24x1xi32>
    %sub3A_122 = arith.constant 1 : i32
    %sub3A_123 = vector.broadcast %sub3A_122 : i32 to vector<24x1xi32>
    %sub3A_124 = arith.subi %broadcast_in_dim3A_121, %sub3A_123 : vector<24x1xi32>
    %swap3A_125 = arith.constant 0 : index
    %swap3A_126 = arith.constant 0 : index
    %swap3A_127 = vector.load %arg5[%swap3A_125, %swap3A_126] : memref<24x1xi32, #tpu.memory_space<vmem>>, vector<24x1xi32>
    tpu.vector_store %arg5[%swap3A_125, %swap3A_126], %sub3A_124 {strides = array<i32>} : memref<24x1xi32, #tpu.memory_space<vmem>>, vector<24x1xi32>,
    %iota3A_128 = tpu.iota {dimensions = array<i32: 0>} : vector<24x1xi32>
    %lt3A = vector.broadcast %slice3A_99 : vector<1x1xi32> to vector<24x1xi32>
    %lt3A_129 = arith.cmpi slt, %iota3A_128, %lt3A : vector<24x1xi32>
    %convert_element_type3A_130 = arith.extui %lt3A_129 : vector<24x1xi1> to vector<24x1xi32>
    %swap3A_131 = arith.constant 0 : index
    %swap3A_132 = arith.constant 0 : index
    %swap3A_133 = vector.load %arg6[%swap3A_131, %swap3A_132] : memref<24x1xi32, #tpu.memory_space<vmem>>, vector<24x1xi32>
    tpu.vector_store %arg6[%swap3A_131, %swap3A_132], %convert_element_type3A_130 {strides = array<i32>} : memref<24x1xi32, #tpu.memory_space<vmem>>, vector<24x1xi32>,
    %sub3A_134 = arith.constant 1 : i32
    %sub3A_135 = vector.broadcast %sub3A_134 : i32 to vector<1x1xi32>
    %sub3A_136 = arith.subi %slice3A_99, %sub3A_135 : vector<1x1xi32>
    %min3A_137 = vector.broadcast %sub3A_136 : vector<1x1xi32> to vector<24x1xi32>
    %min3A_138 = arith.minsi %iota3A_128, %min3A_137 : vector<24x1xi32>
    %swap3A_139 = arith.constant 0 : index
    %swap3A_140 = arith.constant 0 : index
    %swap3A_141 = vector.load %arg7[%swap3A_139, %swap3A_140] : memref<24x1xi32, #tpu.memory_space<vmem>>, vector<24x1xi32>
    tpu.vector_store %arg7[%swap3A_139, %swap3A_140], %min3A_138 {strides = array<i32>} : memref<24x1xi32, #tpu.memory_space<vmem>>, vector<24x1xi32>,
    return
  }
}

module attributes {stable_mosaic.version = 14 : i64} {
  func.func @_expert_body(%arg0: i32, %arg1: memref<24xi32, #tpu.memory_space<smem>>, %arg2: memref<24xi32, #tpu.memory_space<smem>>, %arg3: memref<24xi32, #tpu.memory_space<smem>>, %arg4: memref<256x1024xf32, #tpu.memory_space<vmem>>, %arg5: memref<1x512x2048xf32, #tpu.memory_space<vmem>>, %arg6: memref<1x512x2048xf32, #tpu.memory_space<vmem>>, %arg7: memref<2048x16xf32, #tpu.memory_space<vmem>>, %arg8: memref<1x512x1024xf32, #tpu.memory_space<vmem>>, %arg9: memref<1x512x1024xf32, #tpu.memory_space<vmem>>, %arg10: memref<1x1x1024xf32, #tpu.memory_space<vmem>>, %arg11: memref<256x1024xf32, #tpu.memory_space<vmem>>) attributes {dimension_semantics = [#tpu.dimension_semantics<arbitrary>], iteration_bounds = array<i64: 24>, scalar_prefetch = 3 : i64, scratch_operands = 0 : i64, tpu.core_type = #tpu.core_type<tc>, window_params = [{transform_indices = @transform_0, window_bounds = array<i64: 256, 1024>}, {transform_indices = @transform_1, window_bounds = array<i64: 1, 512, 2048>}, {transform_indices = @transform_2, window_bounds = array<i64: 1, 512, 2048>}, {pipeline_mode = #tpu.pipeline_mode<synchronous>, transform_indices = @transform_3, window_bounds = array<i64: 2048, 16>}, {transform_indices = @transform_4, window_bounds = array<i64: 1, 512, 1024>}, {transform_indices = @transform_5, window_bounds = array<i64: 1, 512, 1024>}, {transform_indices = @transform_6, window_bounds = array<i64: 1, 1, 1024>}, {transform_indices = @transform_7, window_bounds = array<i64: 256, 1024>}]} {
    %get3A = arith.index_cast %arg0 : i32 to index
    %get3A_0 = memref.load %arg2[%get3A] : memref<24xi32, #tpu.memory_space<smem>>
    %eq3A = arith.constant 1 : i32
    %eq3A_1 = arith.cmpi eq, %get3A_0, %eq3A : i32
    %convert_element_type3A = arith.extui %eq3A_1 : i1 to i32
    %cond3A = arith.constant 0 : i32
    %cond3A_2 = arith.cmpi ne, %convert_element_type3A, %cond3A : i32
    scf.if %cond3A_2 {
      %get3A_3 = arith.constant 0 : index
      %get3A_4 = arith.constant 0 : index
      %get3A_5 = vector.load %arg4[%get3A_3, %get3A_4] : memref<256x1024xf32, #tpu.memory_space<vmem>>, vector<256x1024xf32>
      %convert_element_type3A_6 = arith.truncf %get3A_5 : vector<256x1024xf32> to vector<256x1024xbf16>
      %get3A_7 = arith.constant 0 : index
      %get3A_8 = arith.constant 0 : index
      %get3A_9 = arith.constant 0 : index
      %get3A_10 = vector.load %arg5[%get3A_7, %get3A_8, %get3A_9] : memref<1x512x2048xf32, #tpu.memory_space<vmem>>, vector<1x512x2048xf32>
      %get3A_11 = vector.shape_cast %get3A_10 : vector<1x512x2048xf32> to vector<512x2048xf32>
      %convert_element_type3A_12 = arith.truncf %get3A_11 : vector<512x2048xf32> to vector<512x2048xbf16>
      %get3A_13 = arith.constant 0 : index
      %get3A_14 = arith.constant 0 : index
      %get3A_15 = arith.constant 0 : index
      %get3A_16 = vector.load %arg6[%get3A_13, %get3A_14, %get3A_15] : memref<1x512x2048xf32, #tpu.memory_space<vmem>>, vector<1x512x2048xf32>
      %get3A_17 = vector.shape_cast %get3A_16 : vector<1x512x2048xf32> to vector<512x2048xf32>
      %convert_element_type3A_18 = arith.truncf %get3A_17 : vector<512x2048xf32> to vector<512x2048xbf16>
      %slice3A = vector.extract_strided_slice %convert_element_type3A_6 {offsets = [0, 0], sizes = [256, 512], strides = [1, 1]} : vector<256x1024xbf16> to vector<256x512xbf16>
      %dot_general3A = arith.constant dense<0.000000e+00> : vector<2048x256xf32>
      %dot_general3A_19 = tpu.matmul %convert_element_type3A_12, %slice3A, %dot_general3A {dimension_numbers = #tpu.dot_dimension_numbers<[0], [1], [1], [0], [0, 1, 1, 0], [], []>, transpose_lhs_hint = false} : vector<512x2048xbf16>, vector<256x512xbf16>, vector<2048x256xf32> -> vector<2048x256xf32>
      %slice3A_20 = vector.extract_strided_slice %convert_element_type3A_6 {offsets = [0, 512], sizes = [256, 512], strides = [1, 1]} : vector<256x1024xbf16> to vector<256x512xbf16>
      %dot_general3A_21 = arith.constant dense<0.000000e+00> : vector<2048x256xf32>
      %dot_general3A_22 = tpu.matmul %convert_element_type3A_18, %slice3A_20, %dot_general3A_21 {dimension_numbers = #tpu.dot_dimension_numbers<[0], [1], [1], [0], [0, 1, 1, 0], [], []>, transpose_lhs_hint = false} : vector<512x2048xbf16>, vector<256x512xbf16>, vector<2048x256xf32> -> vector<2048x256xf32>
      %add3A = arith.addf %dot_general3A_19, %dot_general3A_22 : vector<2048x256xf32>
      %get3A_23 = arith.index_cast %arg0 : i32 to index
      %get3A_24 = memref.load %arg1[%get3A_23] : memref<24xi32, #tpu.memory_space<smem>>
      %iota3A = tpu.iota {dimensions = array<i32: 0>} : vector<16x1xi32>
      %eq3A_25 = vector.broadcast %get3A_24 : i32 to vector<16x1xi32>
      %eq3A_26 = arith.cmpi eq, %iota3A, %eq3A_25 : vector<16x1xi32>
      %convert_element_type3A_27 = arith.extui %eq3A_26 : vector<16x1xi1> to vector<16x1xi32>
      %convert_element_type3A_28 = arith.sitofp %convert_element_type3A_27 : vector<16x1xi32> to vector<16x1xf32>
      %get3A_29 = arith.constant 0 : index
      %get3A_30 = arith.constant 0 : index
      %get3A_31 = vector.load %arg7[%get3A_29, %get3A_30] : memref<2048x16xf32, #tpu.memory_space<vmem>>, vector<2048x16xf32>
      %dot_general3A_32 = arith.constant dense<0.000000e+00> : vector<2048x1xf32>
      %dot_general3A_33 = tpu.matmul %get3A_31, %convert_element_type3A_28, %dot_general3A_32 {dimension_numbers = #tpu.dot_dimension_numbers<[1], [0], [0], [1], [0, 0, 1, 1], [], []>, transpose_lhs_hint = false} : vector<2048x16xf32>, vector<16x1xf32>, vector<2048x1xf32> -> vector<2048x1xf32>
      %add3A_34 = vector.broadcast %dot_general3A_33 : vector<2048x1xf32> to vector<2048x256xf32>
      %add3A_35 = arith.addf %add3A, %add3A_34 : vector<2048x256xf32>
      %min3A = arith.constant 7.000000e+00 : f32
      %min3A_36 = vector.broadcast %min3A : f32 to vector<2048x256xf32>
      %min3A_37 = arith.minimumf %add3A_35, %min3A_36 : vector<2048x256xf32>
      %mul3A = arith.constant 8.510000e-01 : f32
      %mul3A_38 = vector.broadcast %mul3A : f32 to vector<2048x256xf32>
      %mul3A_39 = arith.mulf %min3A_37, %mul3A_38 : vector<2048x256xf32>
      %tanh3A = math.tanh %mul3A_39 : vector<2048x256xf32>
      %mul3A_40 = arith.constant 5.000000e-01 : f32
      %mul3A_41 = vector.broadcast %mul3A_40 : f32 to vector<2048x256xf32>
      %mul3A_42 = arith.mulf %mul3A_41, %tanh3A : vector<2048x256xf32>
      %add3A_43 = arith.constant 5.000000e-01 : f32
      %add3A_44 = vector.broadcast %add3A_43 : f32 to vector<2048x256xf32>
      %add3A_45 = arith.addf %mul3A_42, %add3A_44 : vector<2048x256xf32>
      %mul3A_46 = arith.mulf %min3A_37, %add3A_45 : vector<2048x256xf32>
      %max3A = arith.constant -7.000000e+00 : f32
      %max3A_47 = vector.broadcast %max3A : f32 to vector<2048x256xf32>
      %max3A_48 = arith.maximumf %min3A_37, %max3A_47 : vector<2048x256xf32>
      %add3A_49 = arith.constant 1.000000e+00 : f32
      %add3A_50 = vector.broadcast %add3A_49 : f32 to vector<2048x256xf32>
      %add3A_51 = arith.addf %max3A_48, %add3A_50 : vector<2048x256xf32>
      %slice3A_52 = vector.extract_strided_slice %add3A_51 {offsets = [1, 0], sizes = [2047, 256], strides = [1, 1]} : vector<2048x256xf32> to vector<2047x256xf32>
      %slice3A_53 = vector.extract_strided_slice %add3A_51 {offsets = [0, 0], sizes = [1, 256], strides = [1, 1]} : vector<2048x256xf32> to vector<1x256xf32>
      %concatenate3A = tpu.concatenate %slice3A_52, %slice3A_53 in 0 : vector<2047x256xf32>, vector<1x256xf32> -> vector<2048x256xf32>
      %mul3A_54 = arith.mulf %mul3A_46, %concatenate3A : vector<2048x256xf32>
      %reshape3A = vector.shape_cast %mul3A_54 : vector<2048x256xf32> to vector<1024x2x256xf32>
      %slice3A_55 = vector.extract_strided_slice %reshape3A {offsets = [0, 0, 0], sizes = [1024, 1, 256], strides = [1, 1, 1]} : vector<1024x2x256xf32> to vector<1024x1x256xf32>
      %squeeze3A = vector.shape_cast %slice3A_55 : vector<1024x1x256xf32> to vector<1024x256xf32>
      %convert_element_type3A_56 = arith.truncf %squeeze3A : vector<1024x256xf32> to vector<1024x256xbf16>
      %get3A_57 = arith.constant 0 : index
      %get3A_58 = arith.constant 0 : index
      %get3A_59 = arith.constant 0 : index
      %get3A_60 = vector.load %arg8[%get3A_57, %get3A_58, %get3A_59] : memref<1x512x1024xf32, #tpu.memory_space<vmem>>, vector<1x512x1024xf32>
      %get3A_61 = vector.shape_cast %get3A_60 : vector<1x512x1024xf32> to vector<512x1024xf32>
      %convert_element_type3A_62 = arith.truncf %get3A_61 : vector<512x1024xf32> to vector<512x1024xbf16>
      %get3A_63 = arith.constant 0 : index
      %get3A_64 = arith.constant 0 : index
      %get3A_65 = arith.constant 0 : index
      %get3A_66 = vector.load %arg9[%get3A_63, %get3A_64, %get3A_65] : memref<1x512x1024xf32, #tpu.memory_space<vmem>>, vector<1x512x1024xf32>
      %get3A_67 = vector.shape_cast %get3A_66 : vector<1x512x1024xf32> to vector<512x1024xf32>
      %convert_element_type3A_68 = arith.truncf %get3A_67 : vector<512x1024xf32> to vector<512x1024xbf16>
      %slice3A_69 = vector.extract_strided_slice %convert_element_type3A_56 {offsets = [0, 0], sizes = [512, 256], strides = [1, 1]} : vector<1024x256xbf16> to vector<512x256xbf16>
      %dot_general3A_70 = arith.constant dense<0.000000e+00> : vector<256x1024xf32>
      %dot_general3A_71 = tpu.matmul %slice3A_69, %convert_element_type3A_62, %dot_general3A_70 {dimension_numbers = #tpu.dot_dimension_numbers<[0], [0], [1], [1], [0, 1, 1, 1], [], []>, transpose_lhs_hint = false} : vector<512x256xbf16>, vector<512x1024xbf16>, vector<256x1024xf32> -> vector<256x1024xf32>
      %slice3A_72 = vector.extract_strided_slice %convert_element_type3A_56 {offsets = [512, 0], sizes = [512, 256], strides = [1, 1]} : vector<1024x256xbf16> to vector<512x256xbf16>
      %dot_general3A_73 = arith.constant dense<0.000000e+00> : vector<256x1024xf32>
      %dot_general3A_74 = tpu.matmul %slice3A_72, %convert_element_type3A_68, %dot_general3A_73 {dimension_numbers = #tpu.dot_dimension_numbers<[0], [0], [1], [1], [0, 1, 1, 1], [], []>, transpose_lhs_hint = false} : vector<512x256xbf16>, vector<512x1024xbf16>, vector<256x1024xf32> -> vector<256x1024xf32>
      %add3A_75 = arith.addf %dot_general3A_71, %dot_general3A_74 : vector<256x1024xf32>
      %get3A_76 = arith.constant 0 : index
      %get3A_77 = arith.constant 0 : index
      %get3A_78 = arith.constant 0 : index
      %get3A_79 = vector.load %arg10[%get3A_76, %get3A_77, %get3A_78] : memref<1x1x1024xf32, #tpu.memory_space<vmem>>, vector<1x1x1024xf32>
      %get3A_80 = vector.shape_cast %get3A_79 : vector<1x1x1024xf32> to vector<1x1024xf32>
      %add3A_81 = vector.broadcast %get3A_80 : vector<1x1024xf32> to vector<256x1024xf32>
      %add3A_82 = arith.addf %add3A_75, %add3A_81 : vector<256x1024xf32>
      %swap3A = arith.constant 0 : index
      %swap3A_83 = arith.constant 0 : index
      %swap3A_84 = vector.load %arg11[%swap3A, %swap3A_83] : memref<256x1024xf32, #tpu.memory_space<vmem>>, vector<256x1024xf32>
      tpu.vector_store %arg11[%swap3A, %swap3A_83], %add3A_82 {strides = array<i32>} : memref<256x1024xf32, #tpu.memory_space<vmem>>, vector<256x1024xf32>,
    } else {
    }
    return
  }
  func.func @transform_0(%arg0: i32, %arg1: memref<24xi32, #tpu.memory_space<smem>>, %arg2: memref<24xi32, #tpu.memory_space<smem>>, %arg3: memref<24xi32, #tpu.memory_space<smem>>) -> (i32, i32) {
    %get3A = arith.index_cast %arg0 : i32 to index
    %get3A_0 = memref.load %arg3[%get3A] : memref<24xi32, #tpu.memory_space<smem>>
    %c0_i32 = arith.constant 0 : i32
    %c0_i32_1 = arith.constant 0 : i32
    return %get3A_0, %c0_i32 : i32, i32
  }
  func.func @transform_1(%arg0: i32, %arg1: memref<24xi32, #tpu.memory_space<smem>>, %arg2: memref<24xi32, #tpu.memory_space<smem>>, %arg3: memref<24xi32, #tpu.memory_space<smem>>) -> (i32, i32, i32) {
    %get3A = arith.index_cast %arg0 : i32 to index
    %get3A_0 = memref.load %arg1[%get3A] : memref<24xi32, #tpu.memory_space<smem>>
    %c0_i32 = arith.constant 0 : i32
    %c0_i32_1 = arith.constant 0 : i32
    %c0_i32_2 = arith.constant 0 : i32
    return %get3A_0, %c0_i32, %c0_i32_1 : i32, i32, i32
  }
  func.func @transform_2(%arg0: i32, %arg1: memref<24xi32, #tpu.memory_space<smem>>, %arg2: memref<24xi32, #tpu.memory_space<smem>>, %arg3: memref<24xi32, #tpu.memory_space<smem>>) -> (i32, i32, i32) {
    %get3A = arith.index_cast %arg0 : i32 to index
    %get3A_0 = memref.load %arg1[%get3A] : memref<24xi32, #tpu.memory_space<smem>>
    %c1_i32 = arith.constant 1 : i32
    %c0_i32 = arith.constant 0 : i32
    %c0_i32_1 = arith.constant 0 : i32
    return %get3A_0, %c1_i32, %c0_i32 : i32, i32, i32
  }
  func.func @transform_3(%arg0: i32, %arg1: memref<24xi32, #tpu.memory_space<smem>>, %arg2: memref<24xi32, #tpu.memory_space<smem>>, %arg3: memref<24xi32, #tpu.memory_space<smem>>) -> (i32, i32) {
    %c0_i32 = arith.constant 0 : i32
    %c0_i32_0 = arith.constant 0 : i32
    %c0_i32_1 = arith.constant 0 : i32
    return %c0_i32, %c0_i32_0 : i32, i32
  }
  func.func @transform_4(%arg0: i32, %arg1: memref<24xi32, #tpu.memory_space<smem>>, %arg2: memref<24xi32, #tpu.memory_space<smem>>, %arg3: memref<24xi32, #tpu.memory_space<smem>>) -> (i32, i32, i32) {
    %get3A = arith.index_cast %arg0 : i32 to index
    %get3A_0 = memref.load %arg1[%get3A] : memref<24xi32, #tpu.memory_space<smem>>
    %c0_i32 = arith.constant 0 : i32
    %c0_i32_1 = arith.constant 0 : i32
    %c0_i32_2 = arith.constant 0 : i32
    return %get3A_0, %c0_i32, %c0_i32_1 : i32, i32, i32
  }
  func.func @transform_5(%arg0: i32, %arg1: memref<24xi32, #tpu.memory_space<smem>>, %arg2: memref<24xi32, #tpu.memory_space<smem>>, %arg3: memref<24xi32, #tpu.memory_space<smem>>) -> (i32, i32, i32) {
    %get3A = arith.index_cast %arg0 : i32 to index
    %get3A_0 = memref.load %arg1[%get3A] : memref<24xi32, #tpu.memory_space<smem>>
    %c1_i32 = arith.constant 1 : i32
    %c0_i32 = arith.constant 0 : i32
    %c0_i32_1 = arith.constant 0 : i32
    return %get3A_0, %c1_i32, %c0_i32 : i32, i32, i32
  }
  func.func @transform_6(%arg0: i32, %arg1: memref<24xi32, #tpu.memory_space<smem>>, %arg2: memref<24xi32, #tpu.memory_space<smem>>, %arg3: memref<24xi32, #tpu.memory_space<smem>>) -> (i32, i32, i32) {
    %get3A = arith.index_cast %arg0 : i32 to index
    %get3A_0 = memref.load %arg1[%get3A] : memref<24xi32, #tpu.memory_space<smem>>
    %c0_i32 = arith.constant 0 : i32
    %c0_i32_1 = arith.constant 0 : i32
    %c0_i32_2 = arith.constant 0 : i32
    return %get3A_0, %c0_i32, %c0_i32_1 : i32, i32, i32
  }
  func.func @transform_7(%arg0: i32, %arg1: memref<24xi32, #tpu.memory_space<smem>>, %arg2: memref<24xi32, #tpu.memory_space<smem>>, %arg3: memref<24xi32, #tpu.memory_space<smem>>) -> (i32, i32) {
    %get3A = arith.index_cast %arg0 : i32 to index
    %get3A_0 = memref.load %arg3[%get3A] : memref<24xi32, #tpu.memory_space<smem>>
    %c0_i32 = arith.constant 0 : i32
    %c0_i32_1 = arith.constant 0 : i32
    return %get3A_0, %c0_i32 : i32, i32
  }
}

</mosaic_0001>

<sc_bundles>
// kernel: kernel.6.cloned.1.call-start
scs
__scs_entry_jumppad:
0x0: {  	(pc) =	sbr.rel $0x88, $3  }
0x1: {  	(tag) =	ssettag $0x0;
	lr =	simm.s32 $0x1  }
0x2: {  	[smem:$0x3F9A] =	sst lr;
	_ =	strace $0xD0000000  }
0x3: {  	_ = 	snop  }
0x4: {  	_ = 	snop  }
0x5: {  	_ = 	snop  }
0x6: {  	_ = 	snop  }
0x7: {  	_ = 	snop  }
__scs_overlays_trampoline_lowered:
0x8: {  	[smem:$0x3FA9] =	sst s0  }
0x9: {  	[smem:$0x3FAA] =	sst s1  }
0xa: {  	[smem:$0x3FAB] =	sst s2  }
0xb: {  	[smem:$0x3FAC] =	sst s3  }
0xc: {  	[smem:$0x3FAD] =	sst s4  }
0xd: {  	[smem:$0x3FAE] =	sst s5  }
0xe: {  	[smem:$0x3FAF] =	sst s6  }
0xf: {  	[smem:$0x3FB0] =	sst s7  }
0x10: {  	[smem:$0x3FB1] =	sst s8  }
0x11: {  	[smem:$0x3FB2] =	sst s9;
	s0 =	simm.s32 @!p0 $0x0  }
0x12: {  	s1 =	sld [smem:$0x3F98];
	s0 =	simm.s32 @p0 $0x1  }
0x13: {  	[smem:$0x3FB3] =	sst s0;
	s0 =	simm.s32 @!p1 $0x0  }
0x14: {  	s2 =	sld [smem:$0x3F97];
	s0 =	simm.s32 @p1 $0x1  }
0x15: {  	[smem:$0x3FB4] =	sst s0;
	s0 =	simm.s32 @!p2 $0x0  }
0x16: {  	s3 =	sld [smem:$0x3FDB];
	s0 =	simm.s32 @p2 $0x1  }
0x17: {  	s4 =	simm.s32 $0x1BF5;
	[smem:$0x3FB6] =	sst s0  }
0x18: {  	s0 =	sld [smem:$0x3F99];
	_ =	swait.ge [sflag:s4], $0x0  }
0x19: {  	s7 =	sld [smem:$0x3F9A]  }
0x1a: {  	s8 =	sadd.s32 $0xFFFFE003, lr  }
0x1b: {  	s9 =	sadd.s32 $0xFFFFFEF7, lr;
	s5 =	simm.s32 $0xFFFFFFFF;
	p2 =	slt.u32 s8, $0xFFFFF086  }
0x1c: {  	p1 =	slt.u32 s9, $0xF7A;
	s5 =	simm.s32 @!p2 $0x0  }
0x1d: {  	s5 =	simm.s32 @p1 $0x1;
	p0 =	seq.s32 s7, s2  }
0x1e: {  	s7 =	smul.u32 @!p0 $0xF7A, s2;
	p2 =	seq.s32 @!p0 s5, $0x0  }
0x1f: {  	s9 =	smul.u32 $0xF7A, s1;
	s8 =	simm.s32 @!p0 $0x1BF5;
	p2 =	por !p2, p0  }
0x20: {  	[sflag:s8] =	ssyncset.s32 @!p0 $0xFFFFF086;
	s6 =	sadd.s32 @!p0 s3, s7;
	s7 =	simm.s32 @!p0 $0x108  }
0x21: {  	s3 =	sadd.s32 s3, s9;
	s6 =	sadd.s32 @!p0 $0x88, s6;
	s7 =	simm.s32 @p2 $0x1082  }
0x22: {  	[simem:s7], [sflag:s8] =	dma.local @!p0 [hbm:s6], $0xF7A  }
0x23: {  	s9 =	sor.u32 $0xD0000000, s2;
	s6 =	simm.s32 $0x108;
	_ =	swait.ge @!p0 [sflag:s8], $0x0  }
0x24: {  	s3 =	sadd.s32 $0x88, s3;
	s6 =	simm.s32 @!p1 $0x1082;
	[sflag:s4] =	ssyncset.s32 $0xFFFFF086  }
0x25: {  	[simem:s6], [sflag:s4] =	dma.local [hbm:s3], $0xF7A  }
0x26: {  	[smem:$0x3F9A] =	sst s1;
	(tag) =	ssettag s2;
	_ =	strace s9  }
0x27: {  	s1 =	sld [smem:$0x3FAA]  }
0x28: {  	s2 =	sld [smem:$0x3FAB]  }
0x29: {  	s4 =	sld [smem:$0x3FAD]  }
0x2a: {  	p0 =	seq.s32 s5, $0x0;
	s5 =	sld [smem:$0x3FAE]  }
0x2b: {  	s6 =	sld [smem:$0x3FAF]  }
0x2c: {  	s7 =	sld [smem:$0x3FB0]  }
0x2d: {  	s3 =	simm.s32 $0x108;
	s8 =	sld [smem:$0x3FB1]  }
0x2e: {  	s3 =	simm.s32 @!p0 $0x1082;
	s9 =	sld [smem:$0x3FB2]  }
0x2f: {  	lr =	sadd.s32 s0, s3;
	s0 =	sld [smem:$0x3FA9]  }
0x30: {  	s3 =	sld [smem:$0x3FAC]  }
0x31: {  	[smem:$0x3FB5] =	sst s10  }
0x32: {  	s10 =	sld [smem:$0x3FB3];
	_ =	sdelay $0x3  }
0x33: {  	p0 =	seq.s32 s10, $0x1;
	s10 =	sld [smem:$0x3FB5];
	_ =	sdelay $0x3  }
0x34: {  	[smem:$0x3FB5] =	sst s10  }
0x35: {  	s10 =	sld [smem:$0x3FB4];
	_ =	sdelay $0x3  }
0x36: {  	p1 =	seq.s32 s10, $0x1;
	s10 =	sld [smem:$0x3FB5];
	_ =	sdelay $0x3  }
0x37: {  	[smem:$0x3FB5] =	sst s10  }
0x38: {  	s10 =	sld [smem:$0x3FB6]  }
0x39: {  	_ = 	snop;
	(pc) =	sbr.ind lr, $3  }
0x3a: {  	_ = 	snop  }
0x3b: {  	_ = 	snop  }
0x3c: {  	p2 =	seq.s32 s10, $0x1;
	s10 =	sld [smem:$0x3FB5]  }
0x3d: {  	_ =	shalt  }
0x3e: {  	_ =	shalt  }
0x3f: {  	_ =	shalt  }
0x40: {  	_ =	shalt  }
0x41: {  	_ =	shalt  }
0x42: {  	_ =	shalt  }
0x43: {  	_ =	shalt  }
0x44: {  	_ =	shalt  }
0x45: {  	_ =	shalt  }
0x46: {  	_ =	shalt  }
0x47: {  	_ =	shalt  }
0x48: {  	_ =	shalt  }
0x49: {  	_ =	shalt  }
0x4a: {  	_ =	shalt  }
0x4b: {  	_ =	shalt  }
0x4c: {  	_ =	shalt  }
0x4d: {  	_ =	shalt  }
0x4e: {  	_ =	shalt  }
0x4f: {  	_ =	shalt  }
0x50: {  	_ =	shalt  }
0x51: {  	_ =	shalt  }
0x52: {  	_ =	shalt  }
0x53: {  	_ =	shalt  }
0x54: {  	_ =	shalt  }
0x55: {  	_ =	shalt  }
0x56: {  	_ =	shalt  }
0x57: {  	_ =	shalt  }
0x58: {  	_ =	shalt  }
0x59: {  	_ =	shalt  }
0x5a: {  	_ =	shalt  }
0x5b: {  	_ =	shalt  }
0x5c: {  	_ =	shalt  }
0x5d: {  	_ =	shalt  }
0x5e: {  	_ =	shalt  }
0x5f: {  	_ =	shalt  }
0x60: {  	_ =	shalt  }
0x61: {  	_ =	shalt  }
0x62: {  	_ =	shalt  }
0x63: {  	_ =	shalt  }
0x64: {  	_ =	shalt  }
0x65: {  	_ =	shalt  }
0x66: {  	_ =	shalt  }
0x67: {  	_ =	shalt  }
0x68: {  	_ =	shalt  }
0x69: {  	_ =	shalt  }
0x6a: {  	_ =	shalt  }
0x6b: {  	_ =	shalt  }
0x6c: {  	_ =	shalt  }
0x6d: {  	_ =	shalt  }
0x6e: {  	_ =	shalt  }
0x6f: {  	_ =	shalt  }
0x70: {  	_ =	shalt  }
0x71: {  	_ =	shalt  }
0x72: {  	_ =	shalt  }
0x73: {  	_ =	shalt  }
0x74: {  	_ =	shalt  }
0x75: {  	_ =	shalt  }
0x76: {  	_ =	shalt  }
0x77: {  	_ =	shalt  }
0x78: {  	_ =	shalt  }
0x79: {  	_ =	shalt  }
0x7a: {  	_ =	shalt  }
0x7b: {  	_ =	shalt  }
0x7c: {  	_ =	shalt  }
0x7d: {  	_ =	shalt  }
0x7e: {  	_ =	shalt  }
0x7f: {  	_ =	shalt  }
0x80: {  	_ =	shalt  }
0x81: {  	_ =	shalt  }
0x82: {  	_ =	shalt  }
0x83: {  	_ =	shalt  }
0x84: {  	_ =	shalt  }
0x85: {  	_ =	shalt  }
0x86: {  	_ =	shalt  }
0x87: {  	_ =	shalt  }
.Lfunc_end0:
.L_simem_size_0:
called_computation_lowered:
.L_overlay_start_0:
0x88: {  	s2 =	sld [smem:$0x3FD9]  }
0x89: {  	s3 =	sld [smem:$0x3FFE];
	_ =	sdelay $0x1  }
0x8a: {  	s1 =	srdreg.scid  }
0x8b: {  	s0 =	sand.u32 $0x1, s1  }
0x8c: {  	s17 =	sshll.u32 s0, $0xA;
	s2 =	sadd.s32 s3, s2  }
0x8d: {  	s2 =	sadd.s32 s2, s17  }
0x8e: {  	[smem:$0x3FC1] =	sst s2  }
0x8f: {  	_ = 	snop  }
0x90: {  	s2 =	sld [smem:$0x3FC9];
	(tm) =	ssettm $0x1  }
0x91: {  	s18 =	sld [smem:$0x3FFB];
	_ =	sdelay $0x3  }
0x92: {  	_ =	strace s18  }
0x93: {  	s3 =	sld [smem:$0x3FFC];
	_ =	sdelay $0x3  }
0x94: {  	_ =	strace s3  }
0x95: {  	s3 =	sld [smem:$0x3FFD];
	_ =	sdelay $0x3  }
0x96: {  	_ =	strace s3  }
0x97: {  	_ =	strace $0x8FFFFFFF  }
0x98: {  	s19 =	sld [smem:$0x3FDB];
	_ =	sdelay $0x1  }
0x99: {  	s4 =	simm.s32 $_scs_section_size  }
0x9a: {  	s5 =	simm.s32 $_size__tile_overlayer_lowered;
	s6 =	simm.s32 $_tile_overlayer_lowered  }
0x9b: {  	s22 =	simm.s32 $0x1BFF;
	s21 =	sshll.u32 s6, $0x1;
	s3 =	sadd.s32 s4, s19  }
0x9c: {  	s7 =	simm.s32 $0x0;
	s20 =	sshll.u32 s5, $0x1;
	s5 =	sadd.s32 s21, s3  }
0x9d: {  	[timem:s7], [sflag:s22] =	dma.local [hbm:s5], s20  }
0x9e: {  	_ =	swait.ge [sflag:s22], s20  }
0x9f: {  	s4 =	ssub.s32 $0x0, s20;
	[sflag:s22] =	ssyncset.done $0x0  }
0xa0: {  	[sflag:s22] =	ssyncadd.s32 s4;
	_ =	sdelay $0x1  }
0xa1: {  	s23 =	simm.s32 $0x1B8B  }
0xa2: {  	_ =	swait.ge [sflag:s23], $0x1  }
0xa3: {  	[sflag:s23] =	ssyncset.done $0x0  }
0xa4: {  	s25 =	simm.s32 $0x1B8E;
	s24 =	sld [smem:$0x3FFE];
	[sflag:s23] =	ssyncadd.s32 $0xFFFFFFFF  }
0xa5: {  	s26 =	simm.s32 $execute0_lowered;
	[smem:$0x3FD2] =	sst s25  }
0xa6: {  	s5 =	sshll.u32 s26, $0x1;
	_ =	strace $0x80000046;
	[dreg:$0x1] =	wrdreg $0xFFFFFFFF  }
0xa7: {  	s28 =	simm.s32 $_size_execute0_lowered;
	s3 =	sadd.s32 s3, s5;
	[dreg:$0x0] =	wrdreg $0x0  }
0xa8: {  	s5 =	sshll.u32 s28, $0x1;
	[dreg:$0x2] =	wrdreg s3  }
0xa9: {  	[dreg:$0x3] =	wrdreg s5  }
0xaa: {  	[dreg:$0x4] =	wrdreg $0xC0  }
0xab: {  	_ =	task [dreg:s7], $0x5FFFF  }
0xac: {  	[dreg:$0x1] =	wrdreg $0xFFFFFFFF  }
0xad: {  	[dreg:$0x0] =	wrdreg $0x60  }
0xae: {  	[dreg:$0x2] =	wrdreg s2  }
0xaf: {  	[dreg:$0x3] =	wrdreg s24  }
0xb0: {  	[dreg:$0x4] =	wrdreg $0x9  }
0xb1: {  	_ =	task.clear_ibuf [dreg:s7], $0x5FFFF;
	_ =	strace $0x90000046  }
0xb2: {  	s29 =	simm.s32 $0x9;
	_ =	strace $0x80000048  }
0xb3: {  	_ =	swait.ge [sflag:s29], $0x1  }
0xb4: {  	[sflag:s29] =	ssyncadd.s32 $0xFFFFFFFF  }
0xb5: {  	_ =	strace $0x90000048  }
0xb6: {  	_ =	sfence  }
0xb7: {  	s30 =	sld [smem:$0x0];
	_ =	sdelay $0x2  }
0xb8: {  	s31 =	sshll.u32 s1, $0xD;
	s1 =	sshrl.u32 s1, $0x2  }
0xb9: {  	s3 =	sand.u32 $0x4000, s31;
	s1 =	sadd.s32 s1, s30  }
0xba: {  	s0 =	sor.u32 s3, s0;
	s1 =	sshll.u32 s1, $0x11  }
0xbb: {  	s0 =	sor.u32 s1, s0  }
0xbc: {  	s0 =	sadd.s32 $0x8F2B, s0  }
0xbd: {  	[sflag:s0] =	ssyncadd.remote.s32 $0x1  }
0xbe: {  	_ =	sfence.sel $0xFFFF  }
0xbf: {  	[dreg:$0x0] =	wrdreg $0xFFFFFFFF;
	(pc) =	sbr.abs _section_cstart, $3  }
0xc0: {  	[dreg:$0x1] =	wrdreg $0xFFFFFFFF  }
0xc1: {  	_ =	task.clear_ibuf [dreg:s7], $0x2FFFF;
	_ =	strace $0x9FFFFFFF  }
0xc2: {  	(tm) =	ssettm $0x7FFFFFFF  }
0xc3: {  	_ =	shalt  }
tec
execute0_lowered:
.L_overlay_start_1:
0x0: {  	(tag) =	ssettag $0x1  }
0x1: {  	s1 =	srdreg.scid  }
0x2: {  	s0 =	stileid.u32;
	s3 =	rddreg [dreg:$0x0]  }
0x3: {  	s6 =	rddreg [dreg:$0x1];
	s18 =	simm.s32 $0x880;
	s19 =	simm.s32 $0x1080  }
0x4: {  	s20 =	simm.s32 $0x1880;
	s22 =	simm.s32 $0x2080;
	s23 =	simm.s32 $0x2880  }
0x5: {  	s7 =	simm.s32 $0x3080;
	s24 =	simm.s32 $0x3880;
	s8 =	simm.s32 $0x4080  }
0x6: {  	s25 =	simm.s32 $0x4880;
	s26 =	simm.s32 $0x5080;
	s1 =	sand.u32 $0x1, s1  }
0x7: {  	s9 =	simm.s32 $0x80;
	s2 =	sshll.u32 s0, $0x7;
	s4 =	sshll.u32 s1, $0x6  }
0x8: {  	s11 =	simm.s32 $0x6080;
	s4 =	sor.u32 s4, s2;
	s2 =	simm.s32 $0x0  }
0x9: {  	s12 =	simm.s32 $0x6880;
	s13 =	simm.s32 $0x7080;
	[smem:$0x7FF] =	sst s2  }
0xa: {  	s14 =	simm.s32 $0x7880;
	_ =	strace $0x80000047;
	[dreg:$0x5] =	wrdreg s18  }
0xb: {  	s15 =	simm.s32 $0x8080;
	s16 =	simm.s32 $0x8880;
	[dreg:$0x6] =	wrdreg s19  }
0xc: {  	s17 =	simm.s32 $0x9080;
	s28 =	simm.s32 $0xE080;
	[dreg:$0x7] =	wrdreg s20  }
0xd: {  	s29 =	simm.s32 $0xE880;
	s30 =	simm.s32 $0xF080;
	[dreg:$0x8] =	wrdreg s22  }
0xe: {  	s31 =	simm.s32 $0xF880;
	s1 =	ssub.s32 $0x2, s1;
	[dreg:$0x9] =	wrdreg s23  }
0xf: {  	s21 =	sshrl.u32 s1, $0x1;
	s5 =	sshrl.u32 s4, $0x3;
	[dreg:$0xa] =	wrdreg s7  }
0x10: {  	s4 =	sshll.u32 s4, $0x7;
	s1 =	ssub.s32 s1, s21;
	[dreg:$0xb] =	wrdreg s24  }
0x11: {  	s21 =	simm.s32 $0xB080;
	s5 =	sadd.s32 s5, s6;
	[dreg:$0xc] =	wrdreg s8  }
0x12: {  	s3 =	sadd.s32 s3, s4;
	s4 =	sadd.s32 $0x8500, s6;
	[dreg:$0xd] =	wrdreg s25  }
0x13: {  	s7 =	smax.u32 s1, $0x1;
	s8 =	simm.s32 $0x2;
	[dreg:$0xe] =	wrdreg s26  }
0x14: {  	s18 =	simm.s32 $0x9880;
	s19 =	simm.s32 $0xA080;
	s20 =	simm.s32 $0xA880  }
0x15: {  	s22 =	simm.s32 $0xB880;
	s23 =	simm.s32 $0xC080;
	s24 =	simm.s32 $0xC880  }
0x16: {  	v2 =	vlaneseq.u32;
	s25 =	simm.s32 $0xD080;
	s26 =	simm.s32 $0xD880;
	s1 =	simm.s32 $0x1  }
0x17: {  	vm0 =	vmmov $0xffff;
	v1 =	vshrl.u32 v2, $0x3;
	s5 =	sadd.s32 $0x8200, s5;
	[dreg:$0x4] =	wrdreg s3;
	s3 =	sadd.s32 $0x8400, s6  }
0x18: {  	v0 =	vand.u32 $0x7, v2;
	v2 =	vor.u32 $0x8, v2;
	v1 =	vmul.u32 $0x8, v1;
	[dreg:$0x3] =	wrdreg s5;
	s5 =	sadd.s32 $0x8600, s6;
	s6 =	sadd.s32 $0x8700, s6  }
.LBB2_1:
0x19: {  	s0 =	rddreg [dreg:$0x3]  }
0x1a: {  	[tilespmem:s2], [sflag:$0x2] =	stream.linear.gather [hbm4b:s0+s2], $0x40, $0x38;
	[tilespmem:$0x10080] =	vst v63  }
0x1b: {  	_ =	swait.ge [sflag:s8], $0x40  }
0x1c: {  	[sflag:s8] =	ssyncset.done $0x0  }
0x1d: {  	s10 =	rddreg [dreg:$0x4];
	[sflag:s8] =	ssyncadd.s32 $0xFFFFFFC0  }
0x1e: {  	[tilespmem:s9], [sflag:$0x2] =	stream.linear.gather [hbm4b:s10+s2], $0x10000, $0x38;
	[tilespmem:$0x10080] =	vst v63  }
0x1f: {  	_ =	swait.ge [sflag:s8], $0x10000  }
0x20: {  	[sflag:s8] =	ssyncset.done $0x0  }
0x21: {  	[sflag:s8] =	ssyncadd.s32 $0xFFFF0000  }
0x22: {  	v3 =	vld [tilespmem:$0x0];
	_ =	sdelay $0x4  }
0x23: {  	v4 =	vshll.u32 v3, $0x3  }
0x24: {  	v3 =	vand.u32 $0x7, v3;
	v4 =	vand.u32 $0xFFFFFFC0, v4  }
0x25: {  	v3 =	vor.u32 v3, v4  }
0x26: {  	v4 =	vperm.xlane v3, v0;
	_ =	sdelay $0x1  }
0x27: {  	v4 =	vadd.s32 v1, v4;
	_ =	sdelay $0x4  }
0x28: {  	[hbm4b:s3+s2] =	stream.indirect_vreg.scatter [tilespmem:s9], [sflag:$0x1], $0x80, v4, vm0, $0xb8;
	[tilespmem:$0x10080] =	vst v63  }
0x29: {  	s0 =	rddreg [dreg:$0x5];
	v3 =	vperm.xlane v3, v2  }
0x2a: {  	[hbm4b:s4+s2] =	stream.indirect_vreg.scatter [tilespmem:s0], [sflag:$0x1], $0x80, v4, vm0, $0xb8;
	[tilespmem:$0x10080] =	vst v63  }
0x2b: {  	s10 =	rddreg [dreg:$0x6];
	v3 =	vadd.s32 v1, v3  }
0x2c: {  	[hbm4b:s5+s2] =	stream.indirect_vreg.scatter [tilespmem:s10], [sflag:$0x1], $0x80, v4, vm0, $0xb8;
	[tilespmem:$0x10080] =	vst v63  }
0x2d: {  	s0 =	rddreg [dreg:$0x7]  }
0x2e: {  	[hbm4b:s6+s2] =	stream.indirect_vreg.scatter [tilespmem:s0], [sflag:$0x1], $0x80, v4, vm0, $0xb8;
	[tilespmem:$0x10080] =	vst v63  }
0x2f: {  	s10 =	rddreg [dreg:$0x8]  }
0x30: {  	[hbm4b:s3+s2] =	stream.indirect_vreg.scatter [tilespmem:s10], [sflag:$0x1], $0x80, v3, vm0, $0xb8;
	[tilespmem:$0x10080] =	vst v63  }
0x31: {  	s0 =	rddreg [dreg:$0x9]  }
0x32: {  	[hbm4b:s4+s2] =	stream.indirect_vreg.scatter [tilespmem:s0], [sflag:$0x1], $0x80, v3, vm0, $0xb8;
	[tilespmem:$0x10080] =	vst v63  }
0x33: {  	s10 =	rddreg [dreg:$0xa]  }
0x34: {  	[hbm4b:s5+s2] =	stream.indirect_vreg.scatter [tilespmem:s10], [sflag:$0x1], $0x80, v3, vm0, $0xb8;
	[tilespmem:$0x10080] =	vst v63  }
0x35: {  	s0 =	rddreg [dreg:$0xb]  }
0x36: {  	[hbm4b:s6+s2] =	stream.indirect_vreg.scatter [tilespmem:s0], [sflag:$0x1], $0x80, v3, vm0, $0xb8;
	[tilespmem:$0x10080] =	vst v63  }
0x37: {  	v3 =	vld [tilespmem:$0x10];
	_ =	sdelay $0x4  }
0x38: {  	v61 =	vshll.u32 v3, $0x3  }
0x39: {  	v3 =	vand.u32 $0x7, v3;
	v4 =	vand.u32 $0xFFFFFFC0, v61  }
0x3a: {  	v3 =	vor.u32 v3, v4  }
0x3b: {  	v4 =	vperm.xlane v3, v0;
	_ =	sdelay $0x1  }
0x3c: {  	v4 =	vadd.s32 v1, v4;
	_ =	sdelay $0x3  }
0x3d: {  	s0 =	rddreg [dreg:$0xc]  }
0x3e: {  	[hbm4b:s3+s2] =	stream.indirect_vreg.scatter [tilespmem:s0], [sflag:$0x1], $0x80, v4, vm0, $0xb8;
	[tilespmem:$0x10080] =	vst v63  }
0x3f: {  	s10 =	rddreg [dreg:$0xd];
	v3 =	vperm.xlane v3, v2  }
0x40: {  	[hbm4b:s4+s2] =	stream.indirect_vreg.scatter [tilespmem:s10], [sflag:$0x1], $0x80, v4, vm0, $0xb8;
	[tilespmem:$0x10080] =	vst v63  }
0x41: {  	v3 =	vadd.s32 v1, v3;
	s0 =	rddreg [dreg:$0xe]  }
0x42: {  	[hbm4b:s5+s2] =	stream.indirect_vreg.scatter [tilespmem:s0], [sflag:$0x1], $0x80, v4, vm0, $0xb8;
	[tilespmem:$0x10080] =	vst v63  }
0x43: {  	s10 =	simm.s32 $0x5880  }
0x44: {  	[hbm4b:s6+s2] =	stream.indirect_vreg.scatter [tilespmem:s10], [sflag:$0x1], $0x80, v4, vm0, $0xb8;
	[tilespmem:$0x10080] =	vst v63  }
0x45: {  	_ = 	snop  }
0x46: {  	[hbm4b:s3+s2] =	stream.indirect_vreg.scatter [tilespmem:s11], [sflag:$0x1], $0x80, v3, vm0, $0xb8;
	[tilespmem:$0x10080] =	vst v63  }
0x47: {  	_ = 	snop  }
0x48: {  	[hbm4b:s4+s2] =	stream.indirect_vreg.scatter [tilespmem:s12], [sflag:$0x1], $0x80, v3, vm0, $0xb8;
	[tilespmem:$0x10080] =	vst v63  }
0x49: {  	_ = 	snop  }
0x4a: {  	[hbm4b:s5+s2] =	stream.indirect_vreg.scatter [tilespmem:s13], [sflag:$0x1], $0x80, v3, vm0, $0xb8;
	[tilespmem:$0x10080] =	vst v63  }
0x4b: {  	_ = 	snop  }
0x4c: {  	[hbm4b:s6+s2] =	stream.indirect_vreg.scatter [tilespmem:s14], [sflag:$0x1], $0x80, v3, vm0, $0xb8;
	[tilespmem:$0x10080] =	vst v63  }
0x4d: {  	v3 =	vld [tilespmem:$0x20];
	_ =	sdelay $0x4  }
0x4e: {  	v62 =	vshll.u32 v3, $0x3  }
0x4f: {  	v3 =	vand.u32 $0x7, v3;
	v4 =	vand.u32 $0xFFFFFFC0, v62  }
0x50: {  	v3 =	vor.u32 v3, v4  }
0x51: {  	v4 =	vperm.xlane v3, v0;
	_ =	sdelay $0x1  }
0x52: {  	v4 =	vadd.s32 v1, v4;
	_ =	sdelay $0x4  }
0x53: {  	[hbm4b:s3+s2] =	stream.indirect_vreg.scatter [tilespmem:s15], [sflag:$0x1], $0x80, v4, vm0, $0xb8;
	[tilespmem:$0x10080] =	vst v63  }
0x54: {  	v3 =	vperm.xlane v3, v2  }
0x55: {  	[hbm4b:s4+s2] =	stream.indirect_vreg.scatter [tilespmem:s16], [sflag:$0x1], $0x80, v4, vm0, $0xb8;
	[tilespmem:$0x10080] =	vst v63  }
0x56: {  	v3 =	vadd.s32 v1, v3  }
0x57: {  	[hbm4b:s5+s2] =	stream.indirect_vreg.scatter [tilespmem:s17], [sflag:$0x1], $0x80, v4, vm0, $0xb8;
	[tilespmem:$0x10080] =	vst v63  }
0x58: {  	_ = 	snop  }
0x59: {  	[hbm4b:s6+s2] =	stream.indirect_vreg.scatter [tilespmem:s18], [sflag:$0x1], $0x80, v4, vm0, $0xb8;
	[tilespmem:$0x10080] =	vst v63  }
0x5a: {  	_ = 	snop  }
0x5b: {  	[hbm4b:s3+s2] =	stream.indirect_vreg.scatter [tilespmem:s19], [sflag:$0x1], $0x80, v3, vm0, $0xb8;
	[tilespmem:$0x10080] =	vst v63  }
0x5c: {  	_ = 	snop  }
0x5d: {  	[hbm4b:s4+s2] =	stream.indirect_vreg.scatter [tilespmem:s20], [sflag:$0x1], $0x80, v3, vm0, $0xb8;
	[tilespmem:$0x10080] =	vst v63  }
0x5e: {  	_ = 	snop  }
0x5f: {  	[hbm4b:s5+s2] =	stream.indirect_vreg.scatter [tilespmem:s21], [sflag:$0x1], $0x80, v3, vm0, $0xb8;
	[tilespmem:$0x10080] =	vst v63  }
0x60: {  	_ = 	snop  }
0x61: {  	[hbm4b:s6+s2] =	stream.indirect_vreg.scatter [tilespmem:s22], [sflag:$0x1], $0x80, v3, vm0, $0xb8;
	[tilespmem:$0x10080] =	vst v63  }
0x62: {  	v3 =	vld [tilespmem:$0x30];
	_ =	sdelay $0x4  }
0x63: {  	v63 =	vshll.u32 v3, $0x3  }
0x64: {  	v3 =	vand.u32 $0x7, v3;
	v4 =	vand.u32 $0xFFFFFFC0, v63  }
0x65: {  	v3 =	vor.u32 v3, v4  }
0x66: {  	v4 =	vperm.xlane v3, v0;
	_ =	sdelay $0x1  }
0x67: {  	v4 =	vadd.s32 v1, v4;
	_ =	sdelay $0x4  }
0x68: {  	[hbm4b:s3+s2] =	stream.indirect_vreg.scatter [tilespmem:s23], [sflag:$0x1], $0x80, v4, vm0, $0xb8;
	[tilespmem:$0x10080] =	vst v63  }
0x69: {  	v3 =	vperm.xlane v3, v2  }
0x6a: {  	[hbm4b:s4+s2] =	stream.indirect_vreg.scatter [tilespmem:s24], [sflag:$0x1], $0x80, v4, vm0, $0xb8;
	[tilespmem:$0x10080] =	vst v63  }
0x6b: {  	v3 =	vadd.s32 v1, v3  }
0x6c: {  	[hbm4b:s5+s2] =	stream.indirect_vreg.scatter [tilespmem:s25], [sflag:$0x1], $0x80, v4, vm0, $0xb8;
	[tilespmem:$0x10080] =	vst v63  }
0x6d: {  	_ = 	snop  }
0x6e: {  	[hbm4b:s6+s2] =	stream.indirect_vreg.scatter [tilespmem:s26], [sflag:$0x1], $0x80, v4, vm0, $0xb8;
	[tilespmem:$0x10080] =	vst v63  }
0x6f: {  	_ = 	snop  }
0x70: {  	[hbm4b:s3+s2] =	stream.indirect_vreg.scatter [tilespmem:s28], [sflag:$0x1], $0x80, v3, vm0, $0xb8;
	[tilespmem:$0x10080] =	vst v63  }
0x71: {  	_ = 	snop  }
0x72: {  	[hbm4b:s4+s2] =	stream.indirect_vreg.scatter [tilespmem:s29], [sflag:$0x1], $0x80, v3, vm0, $0xb8;
	[tilespmem:$0x10080] =	vst v63  }
0x73: {  	p0 =	sne.s32 s7, $0x1  }
0x74: {  	[hbm4b:s5+s2] =	stream.indirect_vreg.scatter [tilespmem:s30], [sflag:$0x1], $0x80, v3, vm0, $0xb8;
	[tilespmem:$0x10080] =	vst v63  }
.Ltmp0:
0x75: {  	_ = 	snop;
	(pc) =	sbr.rel @p0 .LBB2_1-.Ltmp0, $4  }
0x76: {  	[hbm4b:s6+s2] =	stream.indirect_vreg.scatter [tilespmem:s31], [sflag:$0x1], $0x80, v3, vm0, $0xb8;
	[tilespmem:$0x10080] =	vst v63  }
0x77: {  	_ =	swait.ge [sflag:s1], $0x10000  }
0x78: {  	[sflag:s1] =	ssyncset.done $0x0  }
0x79: {  	s7 =	sadd.s32 $0xFFFFFFFF, s7;
	[sflag:s1] =	ssyncadd.s32 $0xFFFF0000  }
0x7a: {  	_ =	sfence.sel $0x180000  }
0x7b: {  	[bflag:$0x0] =	sbarrier.arrive $0xFFFF  }
0x7c: {  	_ =	strace $0x90000047  }
0x7d: {  	s0 =	stileid.u32;
	[bflag:$0x2] =	sbarrier.arrive $0xFFFF  }
0x7e: {  	p0 =	sne.s32 s0, $0x0;
	s0 =	rddreg [dreg:$0x2]  }
0x7f: {  	s0 =	sadd.s32 @!p0 $0x100000, s0  }
0x80: {  	[sflag:s0] =	ssyncadd.tile.s32 @!p0 $0x1;
	_ =	shalt  }
.Lfunc_end2:
_tile_overlayer_lowered:
.L_overlay_start_2:
0x81: {  	(tag) =	ssettag $0x2  }
0x82: {  	s0 =	rddreg [dreg:$0x0];
	s2 =	stileid.u32  }
0x83: {  	s1 =	rddreg [dreg:$0x1];
	p0 =	sne.s32 s2, $0x0  }
0x84: {  	s3 =	rddreg [dreg:$0x2];
	[bflag:$0x3] =	sbarrier.arrive $0xFFFF;
	s2 =	simm.s32 @!p0 $0x1C02  }
0x85: {  	[timem:s3], [sflag:s2] =	dma.local @!p0 [hbm:s0], s1  }
0x86: {  	s0 =	simm.s32 @!p0 $0x2  }
0x87: {  	_ =	swait.ge @!p0 [sflag:s0], s1  }
0x88: {  	s1 =	ssub.s32 @!p0 $0x0, s1;
	[sflag:s0] =	ssyncset.done @!p0 $0x0  }
0x89: {  	[sflag:s0] =	ssyncadd.s32 @!p0 s1  }
0x8a: {  	[bflag:$0x3] =	sbarrier.arrive $0xFFFF  }
0x8b: {  	_ =	shalt  }

// kernel: kernel.9.cloned.1.call-start
scs
__scs_entry_jumppad:
0x0: {  	(pc) =	sbr.rel $0x88, $3  }
0x1: {  	(tag) =	ssettag $0x0;
	lr =	simm.s32 $0x1  }
0x2: {  	[smem:$0x3F9A] =	sst lr;
	_ =	strace $0xD0000000  }
0x3: {  	_ = 	snop  }
0x4: {  	_ = 	snop  }
0x5: {  	_ = 	snop  }
0x6: {  	_ = 	snop  }
0x7: {  	_ = 	snop  }
__scs_overlays_trampoline_lowered:
0x8: {  	[smem:$0x3FA9] =	sst s0  }
0x9: {  	[smem:$0x3FAA] =	sst s1  }
0xa: {  	[smem:$0x3FAB] =	sst s2  }
0xb: {  	[smem:$0x3FAC] =	sst s3  }
0xc: {  	[smem:$0x3FAD] =	sst s4  }
0xd: {  	[smem:$0x3FAE] =	sst s5  }
0xe: {  	[smem:$0x3FAF] =	sst s6  }
0xf: {  	[smem:$0x3FB0] =	sst s7  }
0x10: {  	[smem:$0x3FB1] =	sst s8  }
0x11: {  	[smem:$0x3FB2] =	sst s9;
	s0 =	simm.s32 @!p0 $0x0  }
0x12: {  	s1 =	sld [smem:$0x3F98];
	s0 =	simm.s32 @p0 $0x1  }
0x13: {  	[smem:$0x3FB3] =	sst s0;
	s0 =	simm.s32 @!p1 $0x0  }
0x14: {  	s2 =	sld [smem:$0x3F97];
	s0 =	simm.s32 @p1 $0x1  }
0x15: {  	[smem:$0x3FB4] =	sst s0;
	s0 =	simm.s32 @!p2 $0x0  }
0x16: {  	s3 =	sld [smem:$0x3FDB];
	s0 =	simm.s32 @p2 $0x1  }
0x17: {  	s4 =	simm.s32 $0x1BF5;
	[smem:$0x3FB6] =	sst s0  }
0x18: {  	s0 =	sld [smem:$0x3F99];
	_ =	swait.ge [sflag:s4], $0x0  }
0x19: {  	s7 =	sld [smem:$0x3F9A]  }
0x1a: {  	s8 =	sadd.s32 $0xFFFFE003, lr  }
0x1b: {  	s9 =	sadd.s32 $0xFFFFFEF7, lr;
	s5 =	simm.s32 $0xFFFFFFFF;
	p2 =	slt.u32 s8, $0xFFFFF086  }
0x1c: {  	p1 =	slt.u32 s9, $0xF7A;
	s5 =	simm.s32 @!p2 $0x0  }
0x1d: {  	s5 =	simm.s32 @p1 $0x1;
	p0 =	seq.s32 s7, s2  }
0x1e: {  	s7 =	smul.u32 @!p0 $0xF7A, s2;
	p2 =	seq.s32 @!p0 s5, $0x0  }
0x1f: {  	s9 =	smul.u32 $0xF7A, s1;
	s8 =	simm.s32 @!p0 $0x1BF5;
	p2 =	por !p2, p0  }
0x20: {  	[sflag:s8] =	ssyncset.s32 @!p0 $0xFFFFF086;
	s6 =	sadd.s32 @!p0 s3, s7;
	s7 =	simm.s32 @!p0 $0x108  }
0x21: {  	s3 =	sadd.s32 s3, s9;
	s6 =	sadd.s32 @!p0 $0x88, s6;
	s7 =	simm.s32 @p2 $0x1082  }
0x22: {  	[simem:s7], [sflag:s8] =	dma.local @!p0 [hbm:s6], $0xF7A  }
0x23: {  	s9 =	sor.u32 $0xD0000000, s2;
	s6 =	simm.s32 $0x108;
	_ =	swait.ge @!p0 [sflag:s8], $0x0  }
0x24: {  	s3 =	sadd.s32 $0x88, s3;
	s6 =	simm.s32 @!p1 $0x1082;
	[sflag:s4] =	ssyncset.s32 $0xFFFFF086  }
0x25: {  	[simem:s6], [sflag:s4] =	dma.local [hbm:s3], $0xF7A  }
0x26: {  	[smem:$0x3F9A] =	sst s1;
	(tag) =	ssettag s2;
	_ =	strace s9  }
0x27: {  	s1 =	sld [smem:$0x3FAA]  }
0x28: {  	s2 =	sld [smem:$0x3FAB]  }
0x29: {  	s4 =	sld [smem:$0x3FAD]  }
0x2a: {  	p0 =	seq.s32 s5, $0x0;
	s5 =	sld [smem:$0x3FAE]  }
0x2b: {  	s6 =	sld [smem:$0x3FAF]  }
0x2c: {  	s7 =	sld [smem:$0x3FB0]  }
0x2d: {  	s3 =	simm.s32 $0x108;
	s8 =	sld [smem:$0x3FB1]  }
0x2e: {  	s3 =	simm.s32 @!p0 $0x1082;
	s9 =	sld [smem:$0x3FB2]  }
0x2f: {  	lr =	sadd.s32 s0, s3;
	s0 =	sld [smem:$0x3FA9]  }
0x30: {  	s3 =	sld [smem:$0x3FAC]  }
0x31: {  	[smem:$0x3FB5] =	sst s10  }
0x32: {  	s10 =	sld [smem:$0x3FB3];
	_ =	sdelay $0x3  }
0x33: {  	p0 =	seq.s32 s10, $0x1;
	s10 =	sld [smem:$0x3FB5];
	_ =	sdelay $0x3  }
0x34: {  	[smem:$0x3FB5] =	sst s10  }
0x35: {  	s10 =	sld [smem:$0x3FB4];
	_ =	sdelay $0x3  }
0x36: {  	p1 =	seq.s32 s10, $0x1;
	s10 =	sld [smem:$0x3FB5];
	_ =	sdelay $0x3  }
0x37: {  	[smem:$0x3FB5] =	sst s10  }
0x38: {  	s10 =	sld [smem:$0x3FB6]  }
0x39: {  	_ = 	snop;
	(pc) =	sbr.ind lr, $3  }
0x3a: {  	_ = 	snop  }
0x3b: {  	_ = 	snop  }
0x3c: {  	p2 =	seq.s32 s10, $0x1;
	s10 =	sld [smem:$0x3FB5]  }
0x3d: {  	_ =	shalt  }
0x3e: {  	_ =	shalt  }
0x3f: {  	_ =	shalt  }
0x40: {  	_ =	shalt  }
0x41: {  	_ =	shalt  }
0x42: {  	_ =	shalt  }
0x43: {  	_ =	shalt  }
0x44: {  	_ =	shalt  }
0x45: {  	_ =	shalt  }
0x46: {  	_ =	shalt  }
0x47: {  	_ =	shalt  }
0x48: {  	_ =	shalt  }
0x49: {  	_ =	shalt  }
0x4a: {  	_ =	shalt  }
0x4b: {  	_ =	shalt  }
0x4c: {  	_ =	shalt  }
0x4d: {  	_ =	shalt  }
0x4e: {  	_ =	shalt  }
0x4f: {  	_ =	shalt  }
0x50: {  	_ =	shalt  }
0x51: {  	_ =	shalt  }
0x52: {  	_ =	shalt  }
0x53: {  	_ =	shalt  }
0x54: {  	_ =	shalt  }
0x55: {  	_ =	shalt  }
0x56: {  	_ =	shalt  }
0x57: {  	_ =	shalt  }
0x58: {  	_ =	shalt  }
0x59: {  	_ =	shalt  }
0x5a: {  	_ =	shalt  }
0x5b: {  	_ =	shalt  }
0x5c: {  	_ =	shalt  }
0x5d: {  	_ =	shalt  }
0x5e: {  	_ =	shalt  }
0x5f: {  	_ =	shalt  }
0x60: {  	_ =	shalt  }
0x61: {  	_ =	shalt  }
0x62: {  	_ =	shalt  }
0x63: {  	_ =	shalt  }
0x64: {  	_ =	shalt  }
0x65: {  	_ =	shalt  }
0x66: {  	_ =	shalt  }
0x67: {  	_ =	shalt  }
0x68: {  	_ =	shalt  }
0x69: {  	_ =	shalt  }
0x6a: {  	_ =	shalt  }
0x6b: {  	_ =	shalt  }
0x6c: {  	_ =	shalt  }
0x6d: {  	_ =	shalt  }
0x6e: {  	_ =	shalt  }
0x6f: {  	_ =	shalt  }
0x70: {  	_ =	shalt  }
0x71: {  	_ =	shalt  }
0x72: {  	_ =	shalt  }
0x73: {  	_ =	shalt  }
0x74: {  	_ =	shalt  }
0x75: {  	_ =	shalt  }
0x76: {  	_ =	shalt  }
0x77: {  	_ =	shalt  }
0x78: {  	_ =	shalt  }
0x79: {  	_ =	shalt  }
0x7a: {  	_ =	shalt  }
0x7b: {  	_ =	shalt  }
0x7c: {  	_ =	shalt  }
0x7d: {  	_ =	shalt  }
0x7e: {  	_ =	shalt  }
0x7f: {  	_ =	shalt  }
0x80: {  	_ =	shalt  }
0x81: {  	_ =	shalt  }
0x82: {  	_ =	shalt  }
0x83: {  	_ =	shalt  }
0x84: {  	_ =	shalt  }
0x85: {  	_ =	shalt  }
0x86: {  	_ =	shalt  }
0x87: {  	_ =	shalt  }
.Lfunc_end0:
.L_simem_size_0:
called_computation.1_lowered:
.L_overlay_start_0:
0x88: {  	s2 =	sld [smem:$0x3FD9]  }
0x89: {  	s3 =	sld [smem:$0x3FFE];
	_ =	sdelay $0x1  }
0x8a: {  	s1 =	srdreg.scid  }
0x8b: {  	s0 =	sand.u32 $0x1, s1  }
0x8c: {  	s14 =	sshll.u32 s0, $0xA;
	s2 =	sadd.s32 s3, s2  }
0x8d: {  	s2 =	sadd.s32 s2, s14  }
0x8e: {  	[smem:$0x3FC1] =	sst s2  }
0x8f: {  	_ = 	snop  }
0x90: {  	s2 =	sld [smem:$0x3FD0];
	_ =	sdelay $0x2  }
0x91: {  	s15 =	simm.s32 $0xA;
	s4 =	simm.s32 $0x10  }
0x92: {  	[smem:s4], [sflag:s15] =	dma.local [hbm:s2], $0x1  }
0x93: {  	_ =	swait.eq [sflag:s15], $0x1  }
0x94: {  	[sflag:s15] =	ssyncset.done $0x0  }
0x95: {  	[sflag:s15] =	ssyncadd.s32 $0xFFFFFFFF  }
0x96: {  	s16 =	sld [smem:$0x10];
	(tm) =	ssettm $0x1  }
0x97: {  	s17 =	sld [smem:$0x3FFB];
	_ =	sdelay $0x3  }
0x98: {  	_ =	strace s17  }
0x99: {  	s3 =	sld [smem:$0x3FFC];
	_ =	sdelay $0x3  }
0x9a: {  	_ =	strace s3  }
0x9b: {  	s3 =	sld [smem:$0x3FFD];
	_ =	sdelay $0x3  }
0x9c: {  	_ =	strace s3  }
0x9d: {  	_ =	strace $0x8FFFFFFF  }
0x9e: {  	s18 =	sld [smem:$0x3FDB];
	_ =	sdelay $0x1  }
0x9f: {  	s19 =	simm.s32 $_scs_section_size  }
0xa0: {  	s5 =	simm.s32 $_size__tile_overlayer_lowered;
	s6 =	simm.s32 $_tile_overlayer_lowered  }
0xa1: {  	s22 =	simm.s32 $0x1BFF;
	s21 =	sshll.u32 s6, $0x1;
	s3 =	sadd.s32 s19, s18  }
0xa2: {  	s7 =	simm.s32 $0x0;
	s20 =	sshll.u32 s5, $0x1;
	s5 =	sadd.s32 s21, s3  }
0xa3: {  	[timem:s7], [sflag:s22] =	dma.local [hbm:s5], s20  }
0xa4: {  	_ =	swait.ge [sflag:s22], s20  }
0xa5: {  	s4 =	ssub.s32 $0x0, s20;
	[sflag:s22] =	ssyncset.done $0x0  }
0xa6: {  	[sflag:s22] =	ssyncadd.s32 s4;
	_ =	sdelay $0x1  }
0xa7: {  	s23 =	simm.s32 $0x1B8B  }
0xa8: {  	_ =	swait.ge [sflag:s23], $0x1  }
0xa9: {  	[sflag:s23] =	ssyncset.done $0x0  }
0xaa: {  	s25 =	simm.s32 $0x1B8E;
	s24 =	sld [smem:$0x3FFE];
	[sflag:s23] =	ssyncadd.s32 $0xFFFFFFFF  }
0xab: {  	s26 =	simm.s32 $execute0_lowered;
	[smem:$0x3FD2] =	sst s25  }
0xac: {  	s5 =	sshll.u32 s26, $0x1;
	_ =	strace $0x80000049;
	[dreg:$0x1] =	wrdreg $0xFFFFFFFF  }
0xad: {  	s28 =	simm.s32 $_size_execute0_lowered;
	s3 =	sadd.s32 s3, s5;
	[dreg:$0x0] =	wrdreg $0x0  }
0xae: {  	s5 =	sshll.u32 s28, $0x1;
	[dreg:$0x2] =	wrdreg s3  }
0xaf: {  	[dreg:$0x3] =	wrdreg s5  }
0xb0: {  	[dreg:$0x4] =	wrdreg $0xC0  }
0xb1: {  	_ =	task [dreg:s7], $0x5FFFF  }
0xb2: {  	[dreg:$0x1] =	wrdreg $0xFFFFFFFF  }
0xb3: {  	[dreg:$0x0] =	wrdreg $0x60  }
0xb4: {  	[dreg:$0x2] =	wrdreg s24  }
0xb5: {  	[dreg:$0x3] =	wrdreg s16  }
0xb6: {  	[dreg:$0x4] =	wrdreg $0x9  }
0xb7: {  	_ =	task.clear_ibuf [dreg:s7], $0x5FFFF;
	_ =	strace $0x90000049  }
0xb8: {  	s29 =	simm.s32 $0x9;
	_ =	strace $0x8000004B  }
0xb9: {  	_ =	swait.ge [sflag:s29], $0x1  }
0xba: {  	[sflag:s29] =	ssyncadd.s32 $0xFFFFFFFF  }
0xbb: {  	_ =	strace $0x9000004B  }
0xbc: {  	_ =	sfence  }
0xbd: {  	s30 =	sld [smem:$0x0];
	_ =	sdelay $0x2  }
0xbe: {  	s31 =	sshll.u32 s1, $0xD;
	s1 =	sshrl.u32 s1, $0x2  }
0xbf: {  	s3 =	sand.u32 $0x4000, s31;
	s1 =	sadd.s32 s1, s30  }
0xc0: {  	s0 =	sor.u32 s3, s0;
	s1 =	sshll.u32 s1, $0x11  }
0xc1: {  	s0 =	sor.u32 s1, s0  }
0xc2: {  	s0 =	sadd.s32 $0x8F2B, s0  }
0xc3: {  	[sflag:s0] =	ssyncadd.remote.s32 $0x1  }
0xc4: {  	_ =	sfence.sel $0xFFFF  }
0xc5: {  	[dreg:$0x0] =	wrdreg $0xFFFFFFFF;
	(pc) =	sbr.abs _section_cstart, $3  }
0xc6: {  	[dreg:$0x1] =	wrdreg $0xFFFFFFFF  }
0xc7: {  	_ =	task.clear_ibuf [dreg:s7], $0x2FFFF;
	_ =	strace $0x9FFFFFFF  }
0xc8: {  	(tm) =	ssettm $0x7FFFFFFF  }
0xc9: {  	_ =	shalt  }
tec
execute0_lowered:
.L_overlay_start_1:
0x0: {  	(tag) =	ssettag $0x1  }
0x1: {  	s1 =	srdreg.scid  }
0x2: {  	s0 =	stileid.u32;
	s6 =	rddreg [dreg:$0x0]  }
0x3: {  	s4 =	rddreg [dreg:$0x1];
	s18 =	simm.s32 $0x880;
	s19 =	simm.s32 $0x1080  }
0x4: {  	s20 =	simm.s32 $0x1880;
	s22 =	simm.s32 $0x2080;
	s23 =	simm.s32 $0x2880  }
0x5: {  	s7 =	simm.s32 $0x3080;
	s24 =	simm.s32 $0x3880;
	s8 =	simm.s32 $0x4080  }
0x6: {  	s25 =	simm.s32 $0x4880;
	s26 =	simm.s32 $0x5080;
	s1 =	sand.u32 $0x1, s1  }
0x7: {  	s9 =	simm.s32 $0x80;
	s2 =	sshll.u32 s0, $0x7;
	s3 =	sshll.u32 s1, $0x6  }
0x8: {  	s11 =	simm.s32 $0x6080;
	s3 =	sor.u32 s3, s2;
	s2 =	simm.s32 $0x0  }
0x9: {  	s12 =	simm.s32 $0x6880;
	s13 =	simm.s32 $0x7080;
	[smem:$0x7FF] =	sst s2  }
0xa: {  	s14 =	simm.s32 $0x7880;
	_ =	strace $0x8000004A;
	[dreg:$0x5] =	wrdreg s18  }
0xb: {  	s15 =	simm.s32 $0x8080;
	s16 =	simm.s32 $0x8880;
	[dreg:$0x6] =	wrdreg s19  }
0xc: {  	s17 =	simm.s32 $0x9080;
	s28 =	simm.s32 $0xE080;
	[dreg:$0x7] =	wrdreg s20  }
0xd: {  	s29 =	simm.s32 $0xE880;
	s30 =	simm.s32 $0xF080;
	[dreg:$0x8] =	wrdreg s22  }
0xe: {  	s31 =	simm.s32 $0xF880;
	s1 =	ssub.s32 $0x2, s1;
	[dreg:$0x9] =	wrdreg s23  }
0xf: {  	s21 =	sshrl.u32 s1, $0x1;
	s5 =	sshrl.u32 s3, $0x3;
	[dreg:$0xa] =	wrdreg s7  }
0x10: {  	s3 =	sshll.u32 s3, $0x7;
	s1 =	ssub.s32 s1, s21;
	[dreg:$0xb] =	wrdreg s24  }
0x11: {  	s21 =	simm.s32 $0xB080;
	s5 =	sadd.s32 s5, s6;
	[dreg:$0xc] =	wrdreg s8  }
0x12: {  	s3 =	sadd.s32 s4, s3;
	s4 =	sadd.s32 $0xC8500, s6;
	[dreg:$0xd] =	wrdreg s25  }
0x13: {  	s7 =	smax.u32 s1, $0x1;
	s8 =	simm.s32 $0x2;
	[dreg:$0xe] =	wrdreg s26  }
0x14: {  	s18 =	simm.s32 $0x9880;
	s19 =	simm.s32 $0xA080;
	s20 =	simm.s32 $0xA880  }
0x15: {  	s22 =	simm.s32 $0xB880;
	s23 =	simm.s32 $0xC080;
	s24 =	simm.s32 $0xC880  }
0x16: {  	v2 =	vlaneseq.u32;
	s25 =	simm.s32 $0xD080;
	s26 =	simm.s32 $0xD880;
	s1 =	simm.s32 $0x1  }
0x17: {  	vm0 =	vmmov $0xffff;
	v1 =	vshrl.u32 v2, $0x3;
	s5 =	sadd.s32 $0x8200, s5;
	[dreg:$0x4] =	wrdreg s3;
	s3 =	sadd.s32 $0xC8400, s6  }
0x18: {  	v0 =	vand.u32 $0x7, v2;
	v2 =	vor.u32 $0x8, v2;
	v1 =	vmul.u32 $0x8, v1;
	[dreg:$0x3] =	wrdreg s5;
	s5 =	sadd.s32 $0xC8600, s6;
	s6 =	sadd.s32 $0xC8700, s6  }
.LBB2_1:
0x19: {  	s0 =	rddreg [dreg:$0x3]  }
0x1a: {  	[tilespmem:s2], [sflag:$0x2] =	stream.linear.gather [hbm4b:s0+s2], $0x40, $0x38;
	[tilespmem:$0x10080] =	vst v63  }
0x1b: {  	_ =	swait.ge [sflag:s8], $0x40  }
0x1c: {  	[sflag:s8] =	ssyncset.done $0x0  }
0x1d: {  	[sflag:s8] =	ssyncadd.s32 $0xFFFFFFC0  }
0x1e: {  	v3 =	vld [tilespmem:$0x0];
	_ =	sdelay $0x4  }
0x1f: {  	v4 =	vshll.u32 v3, $0x3  }
0x20: {  	v3 =	vand.u32 $0x7, v3;
	v4 =	vand.u32 $0xFFFFFFC0, v4  }
0x21: {  	v3 =	vor.u32 v3, v4  }
0x22: {  	v4 =	vperm.xlane v3, v0;
	_ =	sdelay $0x1  }
0x23: {  	v4 =	vadd.s32 v1, v4;
	_ =	sdelay $0x4  }
0x24: {  	[tilespmem:s9], [sflag:$0x1] =	stream.indirect_vreg.gather [hbm4b:s3+s2], $0x80, v4, vm0, $0xb8;
	[tilespmem:$0x10080] =	vst v63  }
0x25: {  	s0 =	rddreg [dreg:$0x5];
	v3 =	vperm.xlane v3, v2  }
0x26: {  	[tilespmem:s0], [sflag:$0x1] =	stream.indirect_vreg.gather [hbm4b:s4+s2], $0x80, v4, vm0, $0xb8;
	[tilespmem:$0x10080] =	vst v63  }
0x27: {  	s10 =	rddreg [dreg:$0x6];
	v3 =	vadd.s32 v1, v3  }
0x28: {  	[tilespmem:s10], [sflag:$0x1] =	stream.indirect_vreg.gather [hbm4b:s5+s2], $0x80, v4, vm0, $0xb8;
	[tilespmem:$0x10080] =	vst v63  }
0x29: {  	s0 =	rddreg [dreg:$0x7]  }
0x2a: {  	[tilespmem:s0], [sflag:$0x1] =	stream.indirect_vreg.gather [hbm4b:s6+s2], $0x80, v4, vm0, $0xb8;
	[tilespmem:$0x10080] =	vst v63  }
0x2b: {  	s10 =	rddreg [dreg:$0x8]  }
0x2c: {  	[tilespmem:s10], [sflag:$0x1] =	stream.indirect_vreg.gather [hbm4b:s3+s2], $0x80, v3, vm0, $0xb8;
	[tilespmem:$0x10080] =	vst v63  }
0x2d: {  	s0 =	rddreg [dreg:$0x9]  }
0x2e: {  	[tilespmem:s0], [sflag:$0x1] =	stream.indirect_vreg.gather [hbm4b:s4+s2], $0x80, v3, vm0, $0xb8;
	[tilespmem:$0x10080] =	vst v63  }
0x2f: {  	s10 =	rddreg [dreg:$0xa]  }
0x30: {  	[tilespmem:s10], [sflag:$0x1] =	stream.indirect_vreg.gather [hbm4b:s5+s2], $0x80, v3, vm0, $0xb8;
	[tilespmem:$0x10080] =	vst v63  }
0x31: {  	s0 =	rddreg [dreg:$0xb]  }
0x32: {  	[tilespmem:s0], [sflag:$0x1] =	stream.indirect_vreg.gather [hbm4b:s6+s2], $0x80, v3, vm0, $0xb8;
	[tilespmem:$0x10080] =	vst v63  }
0x33: {  	v3 =	vld [tilespmem:$0x10];
	_ =	sdelay $0x4  }
0x34: {  	v61 =	vshll.u32 v3, $0x3  }
0x35: {  	v3 =	vand.u32 $0x7, v3;
	v4 =	vand.u32 $0xFFFFFFC0, v61  }
0x36: {  	v3 =	vor.u32 v3, v4  }
0x37: {  	v4 =	vperm.xlane v3, v0;
	_ =	sdelay $0x1  }
0x38: {  	v4 =	vadd.s32 v1, v4;
	_ =	sdelay $0x3  }
0x39: {  	s0 =	rddreg [dreg:$0xc]  }
0x3a: {  	[tilespmem:s0], [sflag:$0x1] =	stream.indirect_vreg.gather [hbm4b:s3+s2], $0x80, v4, vm0, $0xb8;
	[tilespmem:$0x10080] =	vst v63  }
0x3b: {  	s10 =	rddreg [dreg:$0xd];
	v3 =	vperm.xlane v3, v2  }
0x3c: {  	[tilespmem:s10], [sflag:$0x1] =	stream.indirect_vreg.gather [hbm4b:s4+s2], $0x80, v4, vm0, $0xb8;
	[tilespmem:$0x10080] =	vst v63  }
0x3d: {  	v3 =	vadd.s32 v1, v3;
	s0 =	rddreg [dreg:$0xe]  }
0x3e: {  	[tilespmem:s0], [sflag:$0x1] =	stream.indirect_vreg.gather [hbm4b:s5+s2], $0x80, v4, vm0, $0xb8;
	[tilespmem:$0x10080] =	vst v63  }
0x3f: {  	s10 =	simm.s32 $0x5880  }
0x40: {  	[tilespmem:s10], [sflag:$0x1] =	stream.indirect_vreg.gather [hbm4b:s6+s2], $0x80, v4, vm0, $0xb8;
	[tilespmem:$0x10080] =	vst v63  }
0x41: {  	_ = 	snop  }
0x42: {  	[tilespmem:s11], [sflag:$0x1] =	stream.indirect_vreg.gather [hbm4b:s3+s2], $0x80, v3, vm0, $0xb8;
	[tilespmem:$0x10080] =	vst v63  }
0x43: {  	_ = 	snop  }
0x44: {  	[tilespmem:s12], [sflag:$0x1] =	stream.indirect_vreg.gather [hbm4b:s4+s2], $0x80, v3, vm0, $0xb8;
	[tilespmem:$0x10080] =	vst v63  }
0x45: {  	_ = 	snop  }
0x46: {  	[tilespmem:s13], [sflag:$0x1] =	stream.indirect_vreg.gather [hbm4b:s5+s2], $0x80, v3, vm0, $0xb8;
	[tilespmem:$0x10080] =	vst v63  }
0x47: {  	_ = 	snop  }
0x48: {  	[tilespmem:s14], [sflag:$0x1] =	stream.indirect_vreg.gather [hbm4b:s6+s2], $0x80, v3, vm0, $0xb8;
	[tilespmem:$0x10080] =	vst v63  }
0x49: {  	v3 =	vld [tilespmem:$0x20];
	_ =	sdelay $0x4  }
0x4a: {  	v62 =	vshll.u32 v3, $0x3  }
0x4b: {  	v3 =	vand.u32 $0x7, v3;
	v4 =	vand.u32 $0xFFFFFFC0, v62  }
0x4c: {  	v3 =	vor.u32 v3, v4  }
0x4d: {  	v4 =	vperm.xlane v3, v0;
	_ =	sdelay $0x1  }
0x4e: {  	v4 =	vadd.s32 v1, v4;
	_ =	sdelay $0x4  }
0x4f: {  	[tilespmem:s15], [sflag:$0x1] =	stream.indirect_vreg.gather [hbm4b:s3+s2], $0x80, v4, vm0, $0xb8;
	[tilespmem:$0x10080] =	vst v63  }
0x50: {  	v3 =	vperm.xlane v3, v2  }
0x51: {  	[tilespmem:s16], [sflag:$0x1] =	stream.indirect_vreg.gather [hbm4b:s4+s2], $0x80, v4, vm0, $0xb8;
	[tilespmem:$0x10080] =	vst v63  }
0x52: {  	v3 =	vadd.s32 v1, v3  }
0x53: {  	[tilespmem:s17], [sflag:$0x1] =	stream.indirect_vreg.gather [hbm4b:s5+s2], $0x80, v4, vm0, $0xb8;
	[tilespmem:$0x10080] =	vst v63  }
0x54: {  	_ = 	snop  }
0x55: {  	[tilespmem:s18], [sflag:$0x1] =	stream.indirect_vreg.gather [hbm4b:s6+s2], $0x80, v4, vm0, $0xb8;
	[tilespmem:$0x10080] =	vst v63  }
0x56: {  	_ = 	snop  }
0x57: {  	[tilespmem:s19], [sflag:$0x1] =	stream.indirect_vreg.gather [hbm4b:s3+s2], $0x80, v3, vm0, $0xb8;
	[tilespmem:$0x10080] =	vst v63  }
0x58: {  	_ = 	snop  }
0x59: {  	[tilespmem:s20], [sflag:$0x1] =	stream.indirect_vreg.gather [hbm4b:s4+s2], $0x80, v3, vm0, $0xb8;
	[tilespmem:$0x10080] =	vst v63  }
0x5a: {  	_ = 	snop  }
0x5b: {  	[tilespmem:s21], [sflag:$0x1] =	stream.indirect_vreg.gather [hbm4b:s5+s2], $0x80, v3, vm0, $0xb8;
	[tilespmem:$0x10080] =	vst v63  }
0x5c: {  	_ = 	snop  }
0x5d: {  	[tilespmem:s22], [sflag:$0x1] =	stream.indirect_vreg.gather [hbm4b:s6+s2], $0x80, v3, vm0, $0xb8;
	[tilespmem:$0x10080] =	vst v63  }
0x5e: {  	v3 =	vld [tilespmem:$0x30];
	_ =	sdelay $0x4  }
0x5f: {  	v63 =	vshll.u32 v3, $0x3  }
0x60: {  	v3 =	vand.u32 $0x7, v3;
	v4 =	vand.u32 $0xFFFFFFC0, v63  }
0x61: {  	v3 =	vor.u32 v3, v4  }
0x62: {  	v4 =	vperm.xlane v3, v0;
	_ =	sdelay $0x1  }
0x63: {  	v4 =	vadd.s32 v1, v4;
	_ =	sdelay $0x4  }
0x64: {  	[tilespmem:s23], [sflag:$0x1] =	stream.indirect_vreg.gather [hbm4b:s3+s2], $0x80, v4, vm0, $0xb8;
	[tilespmem:$0x10080] =	vst v63  }
0x65: {  	v3 =	vperm.xlane v3, v2  }
0x66: {  	[tilespmem:s24], [sflag:$0x1] =	stream.indirect_vreg.gather [hbm4b:s4+s2], $0x80, v4, vm0, $0xb8;
	[tilespmem:$0x10080] =	vst v63  }
0x67: {  	v3 =	vadd.s32 v1, v3  }
0x68: {  	[tilespmem:s25], [sflag:$0x1] =	stream.indirect_vreg.gather [hbm4b:s5+s2], $0x80, v4, vm0, $0xb8;
	[tilespmem:$0x10080] =	vst v63  }
0x69: {  	_ = 	snop  }
0x6a: {  	[tilespmem:s26], [sflag:$0x1] =	stream.indirect_vreg.gather [hbm4b:s6+s2], $0x80, v4, vm0, $0xb8;
	[tilespmem:$0x10080] =	vst v63  }
0x6b: {  	_ = 	snop  }
0x6c: {  	[tilespmem:s28], [sflag:$0x1] =	stream.indirect_vreg.gather [hbm4b:s3+s2], $0x80, v3, vm0, $0xb8;
	[tilespmem:$0x10080] =	vst v63  }
0x6d: {  	_ = 	snop  }
0x6e: {  	[tilespmem:s29], [sflag:$0x1] =	stream.indirect_vreg.gather [hbm4b:s4+s2], $0x80, v3, vm0, $0xb8;
	[tilespmem:$0x10080] =	vst v63  }
0x6f: {  	_ = 	snop  }
0x70: {  	[tilespmem:s30], [sflag:$0x1] =	stream.indirect_vreg.gather [hbm4b:s5+s2], $0x80, v3, vm0, $0xb8;
	[tilespmem:$0x10080] =	vst v63  }
0x71: {  	_ = 	snop  }
0x72: {  	[tilespmem:s31], [sflag:$0x1] =	stream.indirect_vreg.gather [hbm4b:s6+s2], $0x80, v3, vm0, $0xb8;
	[tilespmem:$0x10080] =	vst v63  }
0x73: {  	_ =	swait.ge [sflag:s1], $0x10000  }
0x74: {  	p0 =	sne.s32 s7, $0x1;
	[sflag:s1] =	ssyncset.done $0x0  }
.Ltmp0:
0x75: {  	s10 =	rddreg [dreg:$0x4];
	[sflag:s1] =	ssyncadd.s32 $0xFFFF0000;
	(pc) =	sbr.rel @p0 .LBB2_1-.Ltmp0, $4  }
0x76: {  	[hbm4b:s10+s2] =	stream.linear.scatter [tilespmem:s9], [sflag:$0x2], $0x10000, $0x38;
	[tilespmem:$0x10080] =	vst v63  }
0x77: {  	_ =	swait.ge [sflag:s8], $0x10000  }
0x78: {  	[sflag:s8] =	ssyncset.done $0x0  }
0x79: {  	s7 =	sadd.s32 $0xFFFFFFFF, s7;
	[sflag:s8] =	ssyncadd.s32 $0xFFFF0000  }
0x7a: {  	_ =	sfence.sel $0x180000  }
0x7b: {  	[bflag:$0x0] =	sbarrier.arrive $0xFFFF  }
0x7c: {  	_ =	strace $0x9000004A  }
0x7d: {  	s0 =	stileid.u32;
	[bflag:$0x2] =	sbarrier.arrive $0xFFFF  }
0x7e: {  	p0 =	sne.s32 s0, $0x0;
	s0 =	rddreg [dreg:$0x2]  }
0x7f: {  	s0 =	sadd.s32 @!p0 $0x100000, s0  }
0x80: {  	[sflag:s0] =	ssyncadd.tile.s32 @!p0 $0x1;
	_ =	shalt  }
.Lfunc_end2:
_tile_overlayer_lowered:
.L_overlay_start_2:
0x81: {  	(tag) =	ssettag $0x2  }
0x82: {  	s0 =	rddreg [dreg:$0x0];
	s2 =	stileid.u32  }
0x83: {  	s1 =	rddreg [dreg:$0x1];
	p0 =	sne.s32 s2, $0x0  }
0x84: {  	s3 =	rddreg [dreg:$0x2];
	[bflag:$0x3] =	sbarrier.arrive $0xFFFF;
	s2 =	simm.s32 @!p0 $0x1C02  }
0x85: {  	[timem:s3], [sflag:s2] =	dma.local @!p0 [hbm:s0], s1  }
0x86: {  	s0 =	simm.s32 @!p0 $0x2  }
0x87: {  	_ =	swait.ge @!p0 [sflag:s0], s1  }
0x88: {  	s1 =	ssub.s32 @!p0 $0x0, s1;
	[sflag:s0] =	ssyncset.done @!p0 $0x0  }
0x89: {  	[sflag:s0] =	ssyncadd.s32 @!p0 s1  }
0x8a: {  	[bflag:$0x3] =	sbarrier.arrive $0xFFFF  }
0x8b: {  	_ =	shalt  }

</sc_bundles>
